<compile_context>
chip_gen: v7x
topology: tpu7x:2x2x1
jax: 0.10.2.dev20260603
libtpu: 0.0.44.dev20260713+nightly
codegen_flags: <defaults>
</compile_context>

<pallas_src>
import functools

import jax
import jax.numpy as jnp
from jax.experimental import pallas as pl
from jax.experimental.pallas import tpu as pltpu
from jax.experimental.pallas import tpu_sc as plsc

B, N, G, K, C, T = 16, 2048, 128, 32, 256, 8192
R = B * G * K
BG = B * G
F32 = jnp.float32


def _dot(a, b):
    return jnp.dot(a, b, preferred_element_type=F32)


def _dot_nt(a, b):
    return jax.lax.dot_general(a, b, (((1,), (1,)), ((), ())),
                               preferred_element_type=F32)


def _fps_body(x_ref, y_ref, z_ref, cen_ref):
    X, Y, Z = x_ref[...], y_ref[...], z_ref[...]
    lane_n = jax.lax.broadcasted_iota(jnp.int32, (B, N), 1)
    lane_g = jax.lax.broadcasted_iota(jnp.int32, (B, G), 1)

    def body(g, carry):
        dists, cx, cy, cz, far = carry
        sel = lane_n == far
        px = jnp.sum(jnp.where(sel, X, 0.0), axis=1, keepdims=True)
        py = jnp.sum(jnp.where(sel, Y, 0.0), axis=1, keepdims=True)
        pz = jnp.sum(jnp.where(sel, Z, 0.0), axis=1, keepdims=True)
        hit = lane_g == g
        cx = jnp.where(hit, px, cx)
        cy = jnp.where(hit, py, cy)
        cz = jnp.where(hit, pz, cz)
        d = (X - px) ** 2 + (Y - py) ** 2 + (Z - pz) ** 2
        dists = jnp.minimum(dists, d)
        m = jnp.max(dists, axis=1, keepdims=True)
        far = jnp.min(jnp.where(dists == m, lane_n, N), axis=1,
                      keepdims=True).astype(jnp.int32)
        return dists, cx, cy, cz, far

    dists0 = jnp.full((B, N), 1e10, dtype=F32)
    c0 = jnp.zeros((B, G), dtype=F32)
    far0 = jnp.zeros((B, 1), dtype=jnp.int32)
    _, cx, cy, cz, _ = jax.lax.fori_loop(
        0, G, body, (dists0, c0, c0, c0, far0))
    cen_ref[0] = cx
    cen_ref[1] = cy
    cen_ref[2] = cz


def _run_fps(x, y, z):
    return pl.pallas_call(
        _fps_body,
        grid=(1,),
        in_specs=[
            pl.BlockSpec((B, N), lambda i: (0, 0)),
            pl.BlockSpec((B, N), lambda i: (0, 0)),
            pl.BlockSpec((B, N), lambda i: (0, 0)),
        ],
        out_specs=pl.BlockSpec((3, B, G), lambda i: (0, 0, 0)),
        out_shape=jax.ShapeDtypeStruct((3, B, G), F32),
    )(x, y, z)


_MB = 4


def _knn_body(ptsT_ref, ptsN_ref, centersN_ref, nbh_ref, gtT_ref,
              key_ref):
    lane_n = jax.lax.broadcasted_iota(jnp.int32, (G, N), 1)
    for bb in range(_MB):
        ptsT = ptsT_ref[bb]
        cen = centersN_ref[bb]
        pn2 = jnp.sum(ptsT * ptsT, axis=0, keepdims=True)
        cn2 = jnp.sum(cen * cen, axis=1, keepdims=True)
        d = jnp.maximum(
            cn2 + pn2 - 2.0 * _dot_nt(cen, ptsN_ref[bb]), 0.0)
        key_ref[bb * G:(bb + 1) * G, :] = (
            jax.lax.bitcast_convert_type(d, jnp.int32) & jnp.int32(-2048)
        ) | lane_n
    def extract(k, _):
        for bb in range(_MB):
            kv = key_ref[bb * G:(bb + 1) * G, :]
            kmin = jnp.min(kv, axis=1, keepdims=True)
            onehot = kv == kmin
            key_ref[bb * G:(bb + 1) * G, :] = jnp.where(
                onehot, jnp.int32(2**31 - 1), kv)
            oh = onehot.astype(F32)
            nb = _dot(oh, ptsN_ref[bb]) - centersN_ref[bb]
            nbh_ref[bb, pl.ds(k, 1)] = nb[None]
            gtT_ref[pl.ds(k, 1), :, bb * G:(bb + 1) * G] = nb.T[None]
        return 0

    jax.lax.fori_loop(0, K, extract, 0)


def _run_knn(ptsT, ptsN, centersN):
    return pl.pallas_call(
        _knn_body,
        grid=(B // _MB,),
        in_specs=[
            pl.BlockSpec((_MB, 3, N), lambda b: (b, 0, 0)),
            pl.BlockSpec((_MB, N, 3), lambda b: (b, 0, 0)),
            pl.BlockSpec((_MB, G, 3), lambda b: (b, 0, 0)),
        ],
        out_specs=[
            pl.BlockSpec((_MB, K, G, 3), lambda b: (b, 0, 0, 0)),
            pl.BlockSpec((K, 3, _MB * G), lambda b: (0, 0, b)),
        ],
        out_shape=[
            jax.ShapeDtypeStruct((B, K, G, 3), F32),
            jax.ShapeDtypeStruct((K, 3, BG), F32),
        ],
        scratch_shapes=[pltpu.VMEM((_MB * G, N), jnp.int32)],
    )(ptsT, ptsN, centersN)


_CH = 16
_RC = R // _CH
_GC = BG // _CH


def _enca_body(x_ref, w1_ref, b1_ref, stats_ref):
    i = pl.program_id(0)
    h1 = _dot(x_ref[...], w1_ref[...]) + b1_ref[...]
    s = jnp.sum(h1, axis=0, keepdims=True)
    ss = jnp.sum(h1 * h1, axis=0, keepdims=True)

    @pl.when(i == 0)
    def _():
        stats_ref[...] = jnp.zeros_like(stats_ref)

    stats_ref[0:1, :] += s
    stats_ref[1:2, :] += ss


def _run_enca(x, w1, b1):
    return pl.pallas_call(
        _enca_body,
        grid=(_CH,),
        in_specs=[
            pl.BlockSpec((_RC, 3), lambda i: (i, 0)),
            pl.BlockSpec((3, 128), lambda i: (0, 0)),
            pl.BlockSpec((1, 128), lambda i: (0, 0)),
        ],
        out_specs=pl.BlockSpec((8, 128), lambda i: (0, 0)),
        out_shape=jax.ShapeDtypeStruct((8, 128), F32),
    )(x, w1, b1)


def _bn_apply(h, stats, gamma, beta, nrows):
    mean = stats[0:1, :] / nrows
    var = stats[1:2, :] / nrows - mean * mean
    return (h - mean) * (gamma / jnp.sqrt(var + 1e-5)) + beta


def _encb_body(x_ref, st1_ref, w1_ref, b1_ref, g1_ref, be1_ref,
               w2_ref, b2_ref, w3a_ref, w3b_ref, b3_ref,
               h3_ref, st2_ref):
    i = pl.program_id(0)
    h1 = _dot(x_ref[...], w1_ref[...]) + b1_ref[...]
    h = jax.nn.relu(_bn_apply(h1, st1_ref[...], g1_ref[...], be1_ref[...], R))
    h2 = _dot(h, w2_ref[...]) + b2_ref[...]
    fg = jnp.max(h2.reshape(K, _GC, 256), axis=0)
    hg = _dot(fg, w3a_ref[...])
    hgb = jnp.broadcast_to(hg[None, :, :], (K, _GC, 512)).reshape(_RC, 512)
    h3 = hgb + _dot(h2, w3b_ref[...]) + b3_ref[...]
    h3_ref[...] = h3.astype(jnp.bfloat16)
    s = jnp.sum(h3, axis=0, keepdims=True)
    ss = jnp.sum(h3 * h3, axis=0, keepdims=True)

    @pl.when(i == 0)
    def _():
        st2_ref[...] = jnp.zeros_like(st2_ref)

    st2_ref[0:1, :] += s
    st2_ref[1:2, :] += ss


def _run_encb(x, st1, w1, b1, g1, be1, w2, b2, w3a, w3b, b3):
    return pl.pallas_call(
        _encb_body,
        grid=(_CH,),
        in_specs=[
            pl.BlockSpec((_RC, 3), lambda i: (i, 0)),
            pl.BlockSpec((8, 128), lambda i: (0, 0)),
            pl.BlockSpec((3, 128), lambda i: (0, 0)),
            pl.BlockSpec((1, 128), lambda i: (0, 0)),
            pl.BlockSpec((1, 128), lambda i: (0, 0)),
            pl.BlockSpec((1, 128), lambda i: (0, 0)),
            pl.BlockSpec((128, 256), lambda i: (0, 0)),
            pl.BlockSpec((1, 256), lambda i: (0, 0)),
            pl.BlockSpec((256, 512), lambda i: (0, 0)),
            pl.BlockSpec((256, 512), lambda i: (0, 0)),
            pl.BlockSpec((1, 512), lambda i: (0, 0)),
        ],
        out_specs=[
            pl.BlockSpec((_RC, 512), lambda i: (i, 0)),
            pl.BlockSpec((8, 512), lambda i: (0, 0)),
        ],
        out_shape=[
            jax.ShapeDtypeStruct((R, 512), jnp.bfloat16),
            jax.ShapeDtypeStruct((8, 512), F32),
        ],
    )(x, st1, w1, b1, g1, be1, w2, b2, w3a, w3b, b3)


def _encc_body(h3_ref, st2_ref, g2_ref, be2_ref, w4_ref, b4_ref, feat_ref):
    z = jax.nn.relu(_bn_apply(h3_ref[...].astype(F32), st2_ref[...],
                              g2_ref[...], be2_ref[...], R))
    h4 = _dot(z, w4_ref[...]) + b4_ref[...]
    feat_ref[...] = jnp.max(h4.reshape(K, _GC, C), axis=0)


def _run_encc(h3, st2, g2, be2, w4, b4):
    return pl.pallas_call(
        _encc_body,
        grid=(_CH,),
        in_specs=[
            pl.BlockSpec((_RC, 512), lambda i: (i, 0)),
            pl.BlockSpec((8, 512), lambda i: (0, 0)),
            pl.BlockSpec((1, 512), lambda i: (0, 0)),
            pl.BlockSpec((1, 512), lambda i: (0, 0)),
            pl.BlockSpec((512, C), lambda i: (0, 0)),
            pl.BlockSpec((1, C), lambda i: (0, 0)),
        ],
        out_specs=pl.BlockSpec((_GC, C), lambda i: (i, 0)),
        out_shape=jax.ShapeDtypeStruct((BG, C), F32),
    )(h3, st2, g2, be2, w4, b4)


_TC = 4
_TCS = T // _TC


def _vq_body(feat_ref, cb_ref, ids_ref, best_ref):
    t = pl.program_id(0)
    feat = feat_ref[...]
    cb = cb_ref[...]
    fn2 = jnp.sum(feat * feat, axis=1, keepdims=True)
    cn2 = jnp.sum(cb * cb, axis=1, keepdims=True)
    d = jnp.maximum(fn2 + cn2.T - 2.0 * _dot_nt(feat, cb), 0.0)
    lane = jax.lax.broadcasted_iota(jnp.int32, (BG, _TCS), 1)
    key = (jax.lax.bitcast_convert_type(d, jnp.int32) & jnp.int32(-2048)
           ) | lane
    kmin = jnp.min(key, axis=1, keepdims=True)
    gid = t * _TCS + (kmin & jnp.int32(2047))
    better = jnp.logical_or(t == 0, kmin < best_ref[...])
    best_ref[...] = jnp.where(better, kmin, best_ref[...])
    ids_ref[...] = jnp.where(better, gid, ids_ref[...])


def _run_vq(feat, cb):
    ids, _ = pl.pallas_call(
        _vq_body,
        grid=(_TC,),
        in_specs=[
            pl.BlockSpec((BG, C), lambda t: (0, 0)),
            pl.BlockSpec((_TCS, C), lambda t: (t, 0)),
        ],
        out_specs=[
            pl.BlockSpec((BG, 1), lambda t: (0, 0)),
            pl.BlockSpec((BG, 1), lambda t: (0, 0)),
        ],
        out_shape=[
            jax.ShapeDtypeStruct((BG, 1), jnp.int32),
            jax.ShapeDtypeStruct((BG, 1), jnp.int32),
        ],
    )(feat, cb)
    return ids.reshape(BG)


def _run_scgather(cb, ids):
    info = plsc.get_sparse_core_info()
    nc = info.num_cores
    nw = nc * info.num_subcores
    bw = BG // nw
    mesh = plsc.VectorSubcoreMesh(core_axis_name="c", subcore_axis_name="s")

    @functools.partial(
        pl.kernel, mesh=mesh,
        out_type=jax.ShapeDtypeStruct((BG, C), F32),
        scratch_types=[
            pltpu.VMEM((bw,), jnp.int32),
            pltpu.VMEM((bw, C), F32),
            pltpu.SemaphoreType.DMA,
        ],
    )
    def gather_kernel(cb_hbm, ids_hbm, out_hbm, idx_v, rows_v, sem):
        wid = jax.lax.axis_index("s") * nc + jax.lax.axis_index("c")
        base = wid * bw
        pltpu.sync_copy(ids_hbm.at[pl.ds(base, bw)], idx_v)
        pltpu.async_copy(cb_hbm.at[idx_v], rows_v, sem).wait()
        pltpu.sync_copy(rows_v, out_hbm.at[pl.ds(base, bw)])

    return gather_kernel(cb, ids)


def _dec_body(q_ref, gt_ref, d1_ref, db1_ref, d2_ref, db2_ref,
              d3t_ref, db3c_ref, loss_ref):
    i = pl.program_id(0)
    h = jax.nn.relu(_dot(q_ref[...], d1_ref[...]) + db1_ref[...])
    h = jax.nn.relu(_dot(h, d2_ref[...]) + db2_ref[...])
    recT = _dot_nt(d3t_ref[...], h) + db3c_ref[...]
    rx, ry, rz = recT[:K], recT[K:2 * K], recT[2 * K:]
    gt = gt_ref[...]
    gx, gy, gz = gt[:K], gt[K:2 * K], gt[2 * K:]
    m2 = jnp.full((K, _GC), jnp.inf, dtype=F32)
    s1 = jnp.zeros((1, _GC), dtype=F32)
    for j in range(K):
        dj = ((rx - gx[j:j + 1]) ** 2 + (ry - gy[j:j + 1]) ** 2
              + (rz - gz[j:j + 1]) ** 2)
        m2 = jnp.minimum(m2, dj)
        s1 = s1 + jnp.min(dj, axis=0, keepdims=True)
    total = jnp.sum(s1) + jnp.sum(m2)

    @pl.when(i == 0)
    def _():
        loss_ref[...] = jnp.zeros_like(loss_ref)

    loss_ref[...] += jnp.reshape(total, (1, 1))


def _run_dec(q, gtT, d1, db1, d2, db2, d3t, db3c):
    return pl.pallas_call(
        _dec_body,
        grid=(_CH,),
        in_specs=[
            pl.BlockSpec((_GC, C), lambda i: (i, 0)),
            pl.BlockSpec((3 * K, _GC), lambda i: (0, i)),
            pl.BlockSpec((C, 512), lambda i: (0, 0)),
            pl.BlockSpec((1, 512), lambda i: (0, 0)),
            pl.BlockSpec((512, 256), lambda i: (0, 0)),
            pl.BlockSpec((1, 256), lambda i: (0, 0)),
            pl.BlockSpec((3 * K, 256), lambda i: (0, 0)),
            pl.BlockSpec((3 * K, 1), lambda i: (0, 0)),
        ],
        out_specs=pl.BlockSpec((1, 1), lambda i: (0, 0)),
        out_shape=jax.ShapeDtypeStruct((1, 1), F32),
    )(q, gtT, d1, db1, d2, db2, d3t, db3c)


@functools.partial(jax.jit, static_argnums=())
def kernel(pts, W1, b1, g1, be1, W2, b2, W3, b3, g2, be2, W4, b4,
           codebook, D1, db1, D2, db2, D3, db3):
    ptsT = pts.transpose(0, 2, 1)
    cen3 = _run_fps(ptsT[:, 0], ptsT[:, 1], ptsT[:, 2])
    centersN = cen3.transpose(1, 2, 0)
    nbh, gtT3 = _run_knn(ptsT, pts, centersN)
    gtT = gtT3.transpose(1, 0, 2).reshape(3 * K, BG)
    x = nbh.reshape(R, 3)

    st1 = _run_enca(x, W1, b1[None, :])
    w3a, w3b = W3[:256], W3[256:]
    h3, st2 = _run_encb(x, st1, W1, b1[None, :], g1[None, :], be1[None, :],
                        W2, b2[None, :], w3a, w3b, b3[None, :])
    feat = _run_encc(h3, st2, g2[None, :], be2[None, :], W4, b4[None, :])
    ids = _run_vq(feat, codebook)
    q = _run_scgather(codebook, ids)

    d3t = D3.reshape(256, K, 3).transpose(2, 1, 0).reshape(3 * K, 256)
    db3c = db3.reshape(K, 3).transpose(1, 0).reshape(3 * K, 1)
    loss = _run_dec(q, gtT, D1, db1[None, :], D2, db2[None, :], d3t, db3c)
    return loss[0, 0] / jnp.float32(R)

# --- scband reference (transcript-rebuilt; emitter-appended) ---
"""Pipeline reference for scband-discrete-vae-25125558681957 (READ-ONLY COPY).

The authoritative reference and input builder live on the scoring server;
editing this copy changes nothing except your own understanding.
"""

import jax, jax.numpy as jnp
import numpy as np

B, N, G, K, C, T = 16, 2048, 128, 32, 256, 8192


def fps(xyz, n_samples):
    Bb, Nn, _ = xyz.shape
    dists = jnp.full((Bb, Nn), 1e10, dtype=xyz.dtype)
    farthest = jnp.zeros((Bb,), dtype=jnp.int32)
    idx_list = []
    for _ in range(n_samples):
        idx_list.append(farthest)
        pt = jnp.take_along_axis(xyz, farthest[:, None, None], axis=1)
        d = jnp.sum((xyz - pt) ** 2, axis=-1)
        dists = jnp.minimum(dists, d)
        farthest = jnp.argmax(dists, axis=1).astype(jnp.int32)
    return jnp.stack(idx_list, axis=1)


def bn(x, gamma, beta, eps=1e-5):
    mu = jnp.mean(x, axis=(0, 1), keepdims=True)
    var = jnp.var(x, axis=(0, 1), keepdims=True)
    return (x - mu) / jnp.sqrt(var + eps) * gamma + beta


def setup_inputs(seed: int = 0):
    key = jax.random.key(seed)
    ks = jax.random.split(key, 12)

    def p(k, shape, s=0.02):
        return jax.random.normal(k, shape, dtype=jnp.float32) * s

    return {
        "pts": jax.random.normal(ks[0], (B, N, 3), dtype=jnp.float32),
        "W1": p(ks[1], (3, 128), 0.1), "b1": jnp.zeros((128,), jnp.float32),
        "g1": jnp.ones((128,), jnp.float32), "be1": jnp.zeros((128,), jnp.float32),
        "W2": p(ks[2], (128, 256)), "b2": jnp.zeros((256,), jnp.float32),
        "W3": p(ks[3], (512, 512)), "b3": jnp.zeros((512,), jnp.float32),
        "g2": jnp.ones((512,), jnp.float32), "be2": jnp.zeros((512,), jnp.float32),
        "W4": p(ks[4], (512, C)), "b4": jnp.zeros((C,), jnp.float32),
        "codebook": p(ks[5], (T, C), 0.05),
        "D1": p(ks[6], (C, 512)), "db1": jnp.zeros((512,), jnp.float32),
        "D2": p(ks[7], (512, 256)), "db2": jnp.zeros((256,), jnp.float32),
        "D3": p(ks[8], (256, 3 * K)), "db3": jnp.zeros((3 * K,), jnp.float32),
    }


def reference(pts, W1, b1, g1, be1, W2, b2, W3, b3, g2, be2, W4, b4,
              codebook, D1, db1, D2, db2, D3, db3):
    # Group: FPS centers + kNN neighborhoods (centered)
    center_idx = fps(pts, G)                                   # [B,G]
    center = jax.vmap(lambda x, i: x[i])(pts, center_idx)      # [B,G,3]
    d = jnp.sum((center[:, :, None, :] - pts[:, None, :, :]) ** 2, axis=-1)  # [B,G,N]
    _, knn = jax.lax.top_k(-d, K)                              # [B,G,K]
    neighborhood = jax.vmap(lambda x, i: x[i])(pts, knn)       # [B,G,K,3]
    neighborhood = neighborhood - center[:, :, None, :]
    # PointMAE mini-PointNet encoder
    x = neighborhood.reshape(B * G, K, 3)
    h = x @ W1 + b1
    h = jax.nn.relu(bn(h, g1, be1))
    h = h @ W2 + b2                                            # [BG,K,256]
    fg = jnp.max(h, axis=1, keepdims=True)
    h = jnp.concatenate([jnp.broadcast_to(fg, (B * G, K, 256)), h], axis=-1)
    h = h @ W3 + b3
    h = jax.nn.relu(bn(h, g2, be2))
    h = h @ W4 + b4
    feat = jnp.max(h, axis=1).reshape(B, G, C)                 # [B,G,C]
    # VQ: nearest codebook entry (cdist argmin) + embedding gather
    d2 = (jnp.sum(feat ** 2, axis=-1, keepdims=True)
          + jnp.sum(codebook ** 2, axis=-1)[None, None, :]
          - 2.0 * jnp.einsum('bgc,tc->bgt', feat, codebook))   # [B,G,T]
    token_ids = jnp.argmin(d2, axis=-1)                        # [B,G]
    q = jnp.take(codebook, token_ids, axis=0)                  # [B,G,C]
    # 1x1-conv decoder
    h = jax.nn.relu(q @ D1 + db1)
    h = jax.nn.relu(h @ D2 + db2)
    rec = (h @ D3 + db3).reshape(B * G, K, 3)
    gt = neighborhood.reshape(B * G, K, 3)
    # Chamfer distance L2
    dd = jnp.sum((rec[:, :, None, :] - gt[:, None, :, :]) ** 2, axis=-1)  # [BG,K,K]
    loss = jnp.mean(jnp.min(dd, axis=2)) + jnp.mean(jnp.min(dd, axis=1))
    return loss

if __name__ == "__main__":
    import jax
    _d = setup_inputs()
    print(jax.jit(kernel)(*tuple(_d.values())))

</pallas_src>

<mosaic_0001>
#map = affine_map<(d0, d1) -> (0, 0)>
#map1 = affine_map<(d0, d1) -> (0)>
module attributes {stable_mosaic.version = 14 : i64} {
  func.func @gather_kernel(%arg0: i32, %arg1: i32, %arg2: memref<8192x256xf32, #tpu.memory_space<hbm>>, %arg3: memref<2048xi32, #tpu.memory_space<hbm>>, %arg4: memref<2048x256xf32, #tpu.memory_space<hbm>>, %arg5: memref<64xi32, #tpu.memory_space<vmem>>, %arg6: memref<64x256xf32, #tpu.memory_space<vmem>>, %arg7: memref<!tpu.dma_semaphore, #tpu.memory_space<semaphore_mem>>) attributes {dimension_semantics = [#tpu.dimension_semantics<core_parallel>, #tpu.dimension_semantics<subcore_parallel>], iteration_bounds = array<i64: 2, 16>, scalar_prefetch = 0 : i64, scratch_operands = 3 : i64, tpu.core_type = #tpu.core_type<sc_vector_subcore>, window_params = [{transform_indices = #map}, {transform_indices = #map1}, {transform_indices = #map}]} {
    %mul3A = arith.constant 2 : i32
    %mul3A_0 = arith.muli %arg1, %mul3A : i32
    %add3A = arith.addi %mul3A_0, %arg0 : i32
    %mul3A_1 = arith.constant 64 : i32
    %mul3A_2 = arith.muli %add3A, %mul3A_1 : i32
    "tpu.region"() ({
      %run_scoped3A = tpu.sem_alloc : memref<!tpu.dma_semaphore, #tpu.memory_space<semaphore_mem>>
      %dma_start3A_7 = tpu.memref_slice %arg3[%mul3A_2] : memref<2048xi32, #tpu.memory_space<hbm>> -> memref<64xi32, #tpu.memory_space<hbm>>
      %dma_start3A_8 = tpu.memref_slice %arg3[%mul3A_2] : memref<2048xi32, #tpu.memory_space<hbm>> -> memref<64xi32, #tpu.memory_space<hbm>>
      tpu.enqueue_dma source(%dma_start3A_8 : memref<64xi32, #tpu.memory_space<hbm>>) target(%arg5 : memref<64xi32, #tpu.memory_space<vmem>>) target_semaphore(%run_scoped3A : memref<!tpu.dma_semaphore, #tpu.memory_space<semaphore_mem>>)
      %dma_wait3A_9 = tpu.memref_slice %arg3[%mul3A_2] : memref<2048xi32, #tpu.memory_space<hbm>> -> memref<64xi32, #tpu.memory_space<hbm>>
      %dma_wait3A_10 = tpu.memref_slice %arg3[%mul3A_2] : memref<2048xi32, #tpu.memory_space<hbm>> -> memref<64xi32, #tpu.memory_space<hbm>>
      tpu.wait_dma2 semaphore(%run_scoped3A : memref<!tpu.dma_semaphore, #tpu.memory_space<semaphore_mem>>) src(%dma_wait3A_10 : memref<64xi32, #tpu.memory_space<hbm>>) dst(%arg5 : memref<64xi32, #tpu.memory_space<vmem>>)
      tpu.yield
    }) : () -> ()
    %dma_start3A = arith.constant 0 : i32
    %dma_start3A_3 = arith.constant 0 : i32
    %dma_start3A_4 = tpu.memref_slice %arg2[%dma_start3A, %dma_start3A_3] : memref<8192x256xf32, #tpu.memory_space<hbm>> -> memref<8192x256xf32, #tpu.memory_space<hbm>>
    tpu.enqueue_indirect_dma source(%dma_start3A_4 : memref<8192x256xf32, #tpu.memory_space<hbm>>) target(%arg6 : memref<64x256xf32, #tpu.memory_space<vmem>>) offsets(%arg5 : memref<64xi32, #tpu.memory_space<vmem>>) semaphore(%arg7 : memref<!tpu.dma_semaphore, #tpu.memory_space<semaphore_mem>>)
    %dma_wait3A = arith.constant 0 : i32
    %dma_wait3A_5 = arith.constant 0 : i32
    %dma_wait3A_6 = tpu.memref_slice %arg2[%dma_wait3A, %dma_wait3A_5] : memref<8192x256xf32, #tpu.memory_space<hbm>> -> memref<8192x256xf32, #tpu.memory_space<hbm>>
    tpu.wait_indirect_dma semaphore(%arg7 : memref<!tpu.dma_semaphore, #tpu.memory_space<semaphore_mem>>) src(%dma_wait3A_6 : memref<8192x256xf32, #tpu.memory_space<hbm>>) dst(%arg6 : memref<64x256xf32, #tpu.memory_space<vmem>>)
    "tpu.region"() ({
      %run_scoped3A = tpu.sem_alloc : memref<!tpu.dma_semaphore, #tpu.memory_space<semaphore_mem>>
      %dma_start3A_7 = arith.constant 0 : i32
      %dma_start3A_8 = tpu.memref_slice %arg4[%mul3A_2, %dma_start3A_7] : memref<2048x256xf32, #tpu.memory_space<hbm>> -> memref<64x256xf32, #tpu.memory_space<hbm>>
      %dma_start3A_9 = arith.constant 0 : i32
      %dma_start3A_10 = tpu.memref_slice %arg4[%mul3A_2, %dma_start3A_9] : memref<2048x256xf32, #tpu.memory_space<hbm>> -> memref<64x256xf32, #tpu.memory_space<hbm>>
      tpu.enqueue_dma source(%arg6 : memref<64x256xf32, #tpu.memory_space<vmem>>) target(%dma_start3A_10 : memref<64x256xf32, #tpu.memory_space<hbm>>) target_semaphore(%run_scoped3A : memref<!tpu.dma_semaphore, #tpu.memory_space<semaphore_mem>>)
      %dma_wait3A_11 = arith.constant 0 : i32
      %dma_wait3A_12 = tpu.memref_slice %arg4[%mul3A_2, %dma_wait3A_11] : memref<2048x256xf32, #tpu.memory_space<hbm>> -> memref<64x256xf32, #tpu.memory_space<hbm>>
      %dma_wait3A_13 = arith.constant 0 : i32
      %dma_wait3A_14 = tpu.memref_slice %arg4[%mul3A_2, %dma_wait3A_13] : memref<2048x256xf32, #tpu.memory_space<hbm>> -> memref<64x256xf32, #tpu.memory_space<hbm>>
      tpu.wait_dma2 semaphore(%run_scoped3A : memref<!tpu.dma_semaphore, #tpu.memory_space<semaphore_mem>>) src(%arg6 : memref<64x256xf32, #tpu.memory_space<vmem>>) dst(%dma_wait3A_14 : memref<64x256xf32, #tpu.memory_space<hbm>>)
      tpu.yield
    }) : () -> ()
    return
  }
}

module attributes {stable_mosaic.version = 14 : i64} {
  func.func @_fps_body(%arg0: i32, %arg1: memref<16x2048xf32, #tpu.memory_space<vmem>>, %arg2: memref<16x2048xf32, #tpu.memory_space<vmem>>, %arg3: memref<16x2048xf32, #tpu.memory_space<vmem>>, %arg4: memref<3x16x128xf32, #tpu.memory_space<vmem>>) attributes {dimension_semantics = [#tpu.dimension_semantics<arbitrary>], iteration_bounds = array<i64: 1>, scalar_prefetch = 0 : i64, scratch_operands = 0 : i64, tpu.core_type = #tpu.core_type<tc>, window_params = [{pipeline_mode = #tpu.pipeline_mode<synchronous>, transform_indices = @transform_0, window_bounds = array<i64: 16, 2048>}, {pipeline_mode = #tpu.pipeline_mode<synchronous>, transform_indices = @transform_1, window_bounds = array<i64: 16, 2048>}, {pipeline_mode = #tpu.pipeline_mode<synchronous>, transform_indices = @transform_2, window_bounds = array<i64: 16, 2048>}, {pipeline_mode = #tpu.pipeline_mode<synchronous>, transform_indices = @transform_3, window_bounds = array<i64: 3, 16, 128>}]} {
    %get3A = arith.constant 0 : index
    %get3A_0 = arith.constant 0 : index
    %get3A_1 = vector.load %arg1[%get3A, %get3A_0] : memref<16x2048xf32, #tpu.memory_space<vmem>>, vector<16x2048xf32>
    %get3A_2 = arith.constant 0 : index
    %get3A_3 = arith.constant 0 : index
    %get3A_4 = vector.load %arg2[%get3A_2, %get3A_3] : memref<16x2048xf32, #tpu.memory_space<vmem>>, vector<16x2048xf32>
    %get3A_5 = arith.constant 0 : index
    %get3A_6 = arith.constant 0 : index
    %get3A_7 = vector.load %arg3[%get3A_5, %get3A_6] : memref<16x2048xf32, #tpu.memory_space<vmem>>, vector<16x2048xf32>
    %iota3A = tpu.iota {dimensions = array<i32: 1>} : vector<16x2048xi32>
    %iota3A_8 = tpu.iota {dimensions = array<i32: 1>} : vector<16x128xi32>
    %broadcast_in_dim3A = arith.constant 1.000000e+10 : f32
    %broadcast_in_dim3A_9 = vector.broadcast %broadcast_in_dim3A : f32 to vector<16x2048xf32>
    %broadcast_in_dim3A_10 = arith.constant 0.000000e+00 : f32
    %broadcast_in_dim3A_11 = vector.broadcast %broadcast_in_dim3A_10 : f32 to vector<16x128xf32>
    %broadcast_in_dim3A_12 = arith.constant 0 : i32
    %broadcast_in_dim3A_13 = vector.broadcast %broadcast_in_dim3A_12 : i32 to vector<16x1xi32>
    %scan3A = arith.constant 0 : i32
    %scan3A_14 = arith.constant 128 : i32
    %scan3A_15 = arith.addi %scan3A, %scan3A_14 : i32
    %scan3A_16 = arith.constant 1 : i32
    %scan3A_17:5 = scf.for %scan3A_36 = %scan3A to %scan3A_15 step %scan3A_16 iter_args(%scan3A_37 = %broadcast_in_dim3A_9, %scan3A_38 = %broadcast_in_dim3A_11, %scan3A_39 = %broadcast_in_dim3A_11, %scan3A_40 = %broadcast_in_dim3A_11, %scan3A_41 = %broadcast_in_dim3A_13) -> (vector<16x2048xf32>, vector<16x128xf32>, vector<16x128xf32>, vector<16x128xf32>, vector<16x1xi32>)  : i32 {
      %eq3A = vector.broadcast %scan3A_41 : vector<16x1xi32> to vector<16x2048xi32>
      %eq3A_42 = arith.cmpi eq, %iota3A, %eq3A : vector<16x2048xi32>
      %jit3A = arith.constant 0.000000e+00 : f32
      %broadcast_in_dim3A_43 = vector.broadcast %jit3A : f32 to vector<16x2048xf32>
      %select_n3A = arith.select %eq3A_42, %get3A_1, %broadcast_in_dim3A_43 : vector<16x2048xi1>, vector<16x2048xf32>
      %reduce_sum3A = arith.constant dense<0.000000e+00> : vector<16xf32>
      %reduce_sum3A_44 = vector.multi_reduction <add>, %select_n3A, %reduce_sum3A [1] : vector<16x2048xf32> to vector<16xf32>
      %broadcast_in_dim3A_45 = vector.shape_cast %reduce_sum3A_44 : vector<16xf32> to vector<16x1xf32>
      %jit3A_46 = arith.constant 0.000000e+00 : f32
      %broadcast_in_dim3A_47 = vector.broadcast %jit3A_46 : f32 to vector<16x2048xf32>
      %select_n3A_48 = arith.select %eq3A_42, %get3A_4, %broadcast_in_dim3A_47 : vector<16x2048xi1>, vector<16x2048xf32>
      %reduce_sum3A_49 = arith.constant dense<0.000000e+00> : vector<16xf32>
      %reduce_sum3A_50 = vector.multi_reduction <add>, %select_n3A_48, %reduce_sum3A_49 [1] : vector<16x2048xf32> to vector<16xf32>
      %broadcast_in_dim3A_51 = vector.shape_cast %reduce_sum3A_50 : vector<16xf32> to vector<16x1xf32>
      %jit3A_52 = arith.constant 0.000000e+00 : f32
      %broadcast_in_dim3A_53 = vector.broadcast %jit3A_52 : f32 to vector<16x2048xf32>
      %select_n3A_54 = arith.select %eq3A_42, %get3A_7, %broadcast_in_dim3A_53 : vector<16x2048xi1>, vector<16x2048xf32>
      %reduce_sum3A_55 = arith.constant dense<0.000000e+00> : vector<16xf32>
      %reduce_sum3A_56 = vector.multi_reduction <add>, %select_n3A_54, %reduce_sum3A_55 [1] : vector<16x2048xf32> to vector<16xf32>
      %broadcast_in_dim3A_57 = vector.shape_cast %reduce_sum3A_56 : vector<16xf32> to vector<16x1xf32>
      %eq3A_58 = vector.broadcast %scan3A_36 : i32 to vector<16x128xi32>
      %eq3A_59 = arith.cmpi eq, %iota3A_8, %eq3A_58 : vector<16x128xi32>
      %broadcast_in_dim3A_60 = vector.shape_cast %broadcast_in_dim3A_45 : vector<16x1xf32> to vector<16x1xf32>
      %broadcast_in_dim3A_61 = vector.broadcast %broadcast_in_dim3A_60 : vector<16x1xf32> to vector<16x128xf32>
      %select_n3A_62 = arith.select %eq3A_59, %broadcast_in_dim3A_61, %scan3A_38 : vector<16x128xi1>, vector<16x128xf32>
      %broadcast_in_dim3A_63 = vector.shape_cast %broadcast_in_dim3A_51 : vector<16x1xf32> to vector<16x1xf32>
      %broadcast_in_dim3A_64 = vector.broadcast %broadcast_in_dim3A_63 : vector<16x1xf32> to vector<16x128xf32>
      %select_n3A_65 = arith.select %eq3A_59, %broadcast_in_dim3A_64, %scan3A_39 : vector<16x128xi1>, vector<16x128xf32>
      %broadcast_in_dim3A_66 = vector.shape_cast %broadcast_in_dim3A_57 : vector<16x1xf32> to vector<16x1xf32>
      %broadcast_in_dim3A_67 = vector.broadcast %broadcast_in_dim3A_66 : vector<16x1xf32> to vector<16x128xf32>
      %select_n3A_68 = arith.select %eq3A_59, %broadcast_in_dim3A_67, %scan3A_40 : vector<16x128xi1>, vector<16x128xf32>
      %sub3A = vector.broadcast %broadcast_in_dim3A_45 : vector<16x1xf32> to vector<16x2048xf32>
      %sub3A_69 = arith.subf %get3A_1, %sub3A : vector<16x2048xf32>
      %integer_pow3A = arith.mulf %sub3A_69, %sub3A_69 : vector<16x2048xf32>
      %sub3A_70 = vector.broadcast %broadcast_in_dim3A_51 : vector<16x1xf32> to vector<16x2048xf32>
      %sub3A_71 = arith.subf %get3A_4, %sub3A_70 : vector<16x2048xf32>
      %integer_pow3A_72 = arith.mulf %sub3A_71, %sub3A_71 : vector<16x2048xf32>
      %add3A = arith.addf %integer_pow3A, %integer_pow3A_72 : vector<16x2048xf32>
      %sub3A_73 = vector.broadcast %broadcast_in_dim3A_57 : vector<16x1xf32> to vector<16x2048xf32>
      %sub3A_74 = arith.subf %get3A_7, %sub3A_73 : vector<16x2048xf32>
      %integer_pow3A_75 = arith.mulf %sub3A_74, %sub3A_74 : vector<16x2048xf32>
      %add3A_76 = arith.addf %add3A, %integer_pow3A_75 : vector<16x2048xf32>
      %min3A = arith.minimumf %scan3A_37, %add3A_76 : vector<16x2048xf32>
      %reduce_max3A = arith.constant dense<0xFF800000> : vector<16xf32>
      %reduce_max3A_77 = vector.multi_reduction <maximumf>, %min3A, %reduce_max3A [1] : vector<16x2048xf32> to vector<16xf32>
      %broadcast_in_dim3A_78 = vector.shape_cast %reduce_max3A_77 : vector<16xf32> to vector<16x1xf32>
      %eq3A_79 = vector.broadcast %broadcast_in_dim3A_78 : vector<16x1xf32> to vector<16x2048xf32>
      %eq3A_80 = arith.cmpf oeq, %min3A, %eq3A_79 : vector<16x2048xf32>
      %jit3A_81 = arith.constant 2048 : i32
      %broadcast_in_dim3A_82 = vector.broadcast %jit3A_81 : i32 to vector<16x2048xi32>
      %select_n3A_83 = arith.select %eq3A_80, %iota3A, %broadcast_in_dim3A_82 : vector<16x2048xi1>, vector<16x2048xi32>
      %reduce_min3A = arith.constant dense<2147483647> : vector<16xi32>
      %reduce_min3A_84 = vector.multi_reduction <minsi>, %select_n3A_83, %reduce_min3A [1] : vector<16x2048xi32> to vector<16xi32>
      %broadcast_in_dim3A_85 = vector.shape_cast %reduce_min3A_84 : vector<16xi32> to vector<16x1xi32>
      scf.yield %min3A, %select_n3A_62, %select_n3A_65, %select_n3A_68, %broadcast_in_dim3A_85 : vector<16x2048xf32>, vector<16x128xf32>, vector<16x128xf32>, vector<16x128xf32>, vector<16x1xi32>
    }
    %scan3A_18 = arith.constant 128 : i32
    %swap3A = arith.constant 0 : index
    %swap3A_19 = arith.constant 0 : index
    %swap3A_20 = arith.constant 0 : index
    %swap3A_21 = vector.load %arg4[%swap3A, %swap3A_19, %swap3A_20] : memref<3x16x128xf32, #tpu.memory_space<vmem>>, vector<1x16x128xf32>
    %swap3A_22 = vector.shape_cast %swap3A_21 : vector<1x16x128xf32> to vector<16x128xf32>
    %swap3A_23 = vector.shape_cast %scan3A_17#1 : vector<16x128xf32> to vector<1x16x128xf32>
    tpu.vector_store %arg4[%swap3A, %swap3A_19, %swap3A_20], %swap3A_23 {strides = array<i32>} : memref<3x16x128xf32, #tpu.memory_space<vmem>>, vector<1x16x128xf32>,
    %swap3A_24 = arith.constant 1 : index
    %swap3A_25 = arith.constant 0 : index
    %swap3A_26 = arith.constant 0 : index
    %swap3A_27 = vector.load %arg4[%swap3A_24, %swap3A_25, %swap3A_26] : memref<3x16x128xf32, #tpu.memory_space<vmem>>, vector<1x16x128xf32>
    %swap3A_28 = vector.shape_cast %swap3A_27 : vector<1x16x128xf32> to vector<16x128xf32>
    %swap3A_29 = vector.shape_cast %scan3A_17#2 : vector<16x128xf32> to vector<1x16x128xf32>
    tpu.vector_store %arg4[%swap3A_24, %swap3A_25, %swap3A_26], %swap3A_29 {strides = array<i32>} : memref<3x16x128xf32, #tpu.memory_space<vmem>>, vector<1x16x128xf32>,
    %swap3A_30 = arith.constant 2 : index
    %swap3A_31 = arith.constant 0 : index
    %swap3A_32 = arith.constant 0 : index
    %swap3A_33 = vector.load %arg4[%swap3A_30, %swap3A_31, %swap3A_32] : memref<3x16x128xf32, #tpu.memory_space<vmem>>, vector<1x16x128xf32>
    %swap3A_34 = vector.shape_cast %swap3A_33 : vector<1x16x128xf32> to vector<16x128xf32>
    %swap3A_35 = vector.shape_cast %scan3A_17#3 : vector<16x128xf32> to vector<1x16x128xf32>
    tpu.vector_store %arg4[%swap3A_30, %swap3A_31, %swap3A_32], %swap3A_35 {strides = array<i32>} : memref<3x16x128xf32, #tpu.memory_space<vmem>>, vector<1x16x128xf32>,
    return
  }
  func.func @transform_0(%arg0: i32) -> (i32, i32) {
    %c0_i32 = arith.constant 0 : i32
    %c0_i32_0 = arith.constant 0 : i32
    %c0_i32_1 = arith.constant 0 : i32
    return %c0_i32, %c0_i32_0 : i32, i32
  }
  func.func @transform_1(%arg0: i32) -> (i32, i32) {
    %c0_i32 = arith.constant 0 : i32
    %c0_i32_0 = arith.constant 0 : i32
    %c0_i32_1 = arith.constant 0 : i32
    return %c0_i32, %c0_i32_0 : i32, i32
  }
  func.func @transform_2(%arg0: i32) -> (i32, i32) {
    %c0_i32 = arith.constant 0 : i32
    %c0_i32_0 = arith.constant 0 : i32
    %c0_i32_1 = arith.constant 0 : i32
    return %c0_i32, %c0_i32_0 : i32, i32
  }
  func.func @transform_3(%arg0: i32) -> (i32, i32, i32) {
    %c0_i32 = arith.constant 0 : i32
    %c0_i32_0 = arith.constant 0 : i32
    %c0_i32_1 = arith.constant 0 : i32
    %c0_i32_2 = arith.constant 0 : i32
    return %c0_i32, %c0_i32_0, %c0_i32_1 : i32, i32, i32
  }
}

module attributes {stable_mosaic.version = 14 : i64} {
  func.func @_knn_body(%arg0: i32, %arg1: memref<4x3x2048xf32, #tpu.memory_space<vmem>>, %arg2: memref<4x2048x3xf32, #tpu.memory_space<vmem>>, %arg3: memref<4x128x3xf32, #tpu.memory_space<vmem>>, %arg4: memref<4x32x128x3xf32, #tpu.memory_space<vmem>>, %arg5: memref<32x3x512xf32, #tpu.memory_space<vmem>>, %arg6: memref<512x2048xi32, #tpu.memory_space<vmem>>) attributes {dimension_semantics = [#tpu.dimension_semantics<arbitrary>], iteration_bounds = array<i64: 4>, scalar_prefetch = 0 : i64, scratch_operands = 1 : i64, tpu.core_type = #tpu.core_type<tc>, window_params = [{transform_indices = @transform_0, window_bounds = array<i64: 4, 3, 2048>}, {transform_indices = @transform_1, window_bounds = array<i64: 4, 2048, 3>}, {transform_indices = @transform_2, window_bounds = array<i64: 4, 128, 3>}, {transform_indices = @transform_3, window_bounds = array<i64: 4, 32, 128, 3>}, {transform_indices = @transform_4, window_bounds = array<i64: 32, 3, 512>}]} {
    %iota3A = tpu.iota {dimensions = array<i32: 1>} : vector<128x2048xi32>
    %get3A = arith.constant 0 : index
    %get3A_0 = arith.constant 0 : index
    %get3A_1 = arith.constant 0 : index
    %get3A_2 = vector.load %arg1[%get3A, %get3A_0, %get3A_1] : memref<4x3x2048xf32, #tpu.memory_space<vmem>>, vector<1x3x2048xf32>
    %get3A_3 = vector.shape_cast %get3A_2 : vector<1x3x2048xf32> to vector<3x2048xf32>
    %get3A_4 = arith.constant 0 : index
    %get3A_5 = arith.constant 0 : index
    %get3A_6 = arith.constant 0 : index
    %get3A_7 = vector.load %arg3[%get3A_4, %get3A_5, %get3A_6] : memref<4x128x3xf32, #tpu.memory_space<vmem>>, vector<1x128x3xf32>
    %get3A_8 = vector.shape_cast %get3A_7 : vector<1x128x3xf32> to vector<128x3xf32>
    %mul3A = arith.mulf %get3A_3, %get3A_3 : vector<3x2048xf32>
    %reduce_sum3A = arith.constant dense<0.000000e+00> : vector<2048xf32>
    %reduce_sum3A_9 = vector.multi_reduction <add>, %mul3A, %reduce_sum3A [0] : vector<3x2048xf32> to vector<2048xf32>
    %broadcast_in_dim3A = vector.shape_cast %reduce_sum3A_9 : vector<2048xf32> to vector<1x2048xf32>
    %mul3A_10 = arith.mulf %get3A_8, %get3A_8 : vector<128x3xf32>
    %reduce_sum3A_11 = arith.constant dense<0.000000e+00> : vector<128xf32>
    %reduce_sum3A_12 = vector.multi_reduction <add>, %mul3A_10, %reduce_sum3A_11 [1] : vector<128x3xf32> to vector<128xf32>
    %broadcast_in_dim3A_13 = vector.shape_cast %reduce_sum3A_12 : vector<128xf32> to vector<128x1xf32>
    %add3A = vector.broadcast %broadcast_in_dim3A_13 : vector<128x1xf32> to vector<128x2048xf32>
    %add3A_14 = vector.broadcast %broadcast_in_dim3A : vector<1x2048xf32> to vector<128x2048xf32>
    %add3A_15 = arith.addf %add3A, %add3A_14 : vector<128x2048xf32>
    %get3A_16 = arith.constant 0 : index
    %get3A_17 = arith.constant 0 : index
    %get3A_18 = arith.constant 0 : index
    %get3A_19 = vector.load %arg2[%get3A_16, %get3A_17, %get3A_18] : memref<4x2048x3xf32, #tpu.memory_space<vmem>>, vector<1x2048x3xf32>
    %get3A_20 = vector.shape_cast %get3A_19 : vector<1x2048x3xf32> to vector<2048x3xf32>
    %dot_general3A = arith.constant dense<0.000000e+00> : vector<128x2048xf32>
    %dot_general3A_21 = tpu.matmul %get3A_8, %get3A_20, %dot_general3A {dimension_numbers = #tpu.dot_dimension_numbers<[1], [1], [0], [0], [0, 0, 1, 0], [], []>, transpose_lhs_hint = false} : vector<128x3xf32>, vector<2048x3xf32>, vector<128x2048xf32> -> vector<128x2048xf32>
    %mul3A_22 = arith.constant 2.000000e+00 : f32
    %mul3A_23 = vector.broadcast %mul3A_22 : f32 to vector<128x2048xf32>
    %mul3A_24 = arith.mulf %mul3A_23, %dot_general3A_21 : vector<128x2048xf32>
    %sub3A = arith.subf %add3A_15, %mul3A_24 : vector<128x2048xf32>
    %max3A = arith.constant 0.000000e+00 : f32
    %max3A_25 = vector.broadcast %max3A : f32 to vector<128x2048xf32>
    %max3A_26 = arith.maximumf %sub3A, %max3A_25 : vector<128x2048xf32>
    %bitcast_convert_type3A = tpu.bitcast %max3A_26 : vector<128x2048xf32> -> vector<128x2048xi32>
    %and3A = arith.constant -2048 : i32
    %and3A_27 = vector.broadcast %and3A : i32 to vector<128x2048xi32>
    %and3A_28 = arith.andi %bitcast_convert_type3A, %and3A_27 : vector<128x2048xi32>
    %or3A = arith.ori %and3A_28, %iota3A : vector<128x2048xi32>
    %swap3A = arith.constant 0 : index
    %swap3A_29 = arith.constant 0 : index
    %swap3A_30 = vector.load %arg6[%swap3A, %swap3A_29] : memref<512x2048xi32, #tpu.memory_space<vmem>>, vector<128x2048xi32>
    tpu.vector_store %arg6[%swap3A, %swap3A_29], %or3A {strides = array<i32>} : memref<512x2048xi32, #tpu.memory_space<vmem>>, vector<128x2048xi32>,
    %get3A_31 = arith.constant 1 : index
    %get3A_32 = arith.constant 0 : index
    %get3A_33 = arith.constant 0 : index
    %get3A_34 = vector.load %arg1[%get3A_31, %get3A_32, %get3A_33] : memref<4x3x2048xf32, #tpu.memory_space<vmem>>, vector<1x3x2048xf32>
    %get3A_35 = vector.shape_cast %get3A_34 : vector<1x3x2048xf32> to vector<3x2048xf32>
    %get3A_36 = arith.constant 1 : index
    %get3A_37 = arith.constant 0 : index
    %get3A_38 = arith.constant 0 : index
    %get3A_39 = vector.load %arg3[%get3A_36, %get3A_37, %get3A_38] : memref<4x128x3xf32, #tpu.memory_space<vmem>>, vector<1x128x3xf32>
    %get3A_40 = vector.shape_cast %get3A_39 : vector<1x128x3xf32> to vector<128x3xf32>
    %mul3A_41 = arith.mulf %get3A_35, %get3A_35 : vector<3x2048xf32>
    %reduce_sum3A_42 = arith.constant dense<0.000000e+00> : vector<2048xf32>
    %reduce_sum3A_43 = vector.multi_reduction <add>, %mul3A_41, %reduce_sum3A_42 [0] : vector<3x2048xf32> to vector<2048xf32>
    %broadcast_in_dim3A_44 = vector.shape_cast %reduce_sum3A_43 : vector<2048xf32> to vector<1x2048xf32>
    %mul3A_45 = arith.mulf %get3A_40, %get3A_40 : vector<128x3xf32>
    %reduce_sum3A_46 = arith.constant dense<0.000000e+00> : vector<128xf32>
    %reduce_sum3A_47 = vector.multi_reduction <add>, %mul3A_45, %reduce_sum3A_46 [1] : vector<128x3xf32> to vector<128xf32>
    %broadcast_in_dim3A_48 = vector.shape_cast %reduce_sum3A_47 : vector<128xf32> to vector<128x1xf32>
    %add3A_49 = vector.broadcast %broadcast_in_dim3A_48 : vector<128x1xf32> to vector<128x2048xf32>
    %add3A_50 = vector.broadcast %broadcast_in_dim3A_44 : vector<1x2048xf32> to vector<128x2048xf32>
    %add3A_51 = arith.addf %add3A_49, %add3A_50 : vector<128x2048xf32>
    %get3A_52 = arith.constant 1 : index
    %get3A_53 = arith.constant 0 : index
    %get3A_54 = arith.constant 0 : index
    %get3A_55 = vector.load %arg2[%get3A_52, %get3A_53, %get3A_54] : memref<4x2048x3xf32, #tpu.memory_space<vmem>>, vector<1x2048x3xf32>
    %get3A_56 = vector.shape_cast %get3A_55 : vector<1x2048x3xf32> to vector<2048x3xf32>
    %dot_general3A_57 = arith.constant dense<0.000000e+00> : vector<128x2048xf32>
    %dot_general3A_58 = tpu.matmul %get3A_40, %get3A_56, %dot_general3A_57 {dimension_numbers = #tpu.dot_dimension_numbers<[1], [1], [0], [0], [0, 0, 1, 0], [], []>, transpose_lhs_hint = false} : vector<128x3xf32>, vector<2048x3xf32>, vector<128x2048xf32> -> vector<128x2048xf32>
    %mul3A_59 = arith.constant 2.000000e+00 : f32
    %mul3A_60 = vector.broadcast %mul3A_59 : f32 to vector<128x2048xf32>
    %mul3A_61 = arith.mulf %mul3A_60, %dot_general3A_58 : vector<128x2048xf32>
    %sub3A_62 = arith.subf %add3A_51, %mul3A_61 : vector<128x2048xf32>
    %max3A_63 = arith.constant 0.000000e+00 : f32
    %max3A_64 = vector.broadcast %max3A_63 : f32 to vector<128x2048xf32>
    %max3A_65 = arith.maximumf %sub3A_62, %max3A_64 : vector<128x2048xf32>
    %bitcast_convert_type3A_66 = tpu.bitcast %max3A_65 : vector<128x2048xf32> -> vector<128x2048xi32>
    %and3A_67 = arith.constant -2048 : i32
    %and3A_68 = vector.broadcast %and3A_67 : i32 to vector<128x2048xi32>
    %and3A_69 = arith.andi %bitcast_convert_type3A_66, %and3A_68 : vector<128x2048xi32>
    %or3A_70 = arith.ori %and3A_69, %iota3A : vector<128x2048xi32>
    %swap3A_71 = arith.constant 128 : index
    %swap3A_72 = arith.constant 0 : index
    %swap3A_73 = vector.load %arg6[%swap3A_71, %swap3A_72] : memref<512x2048xi32, #tpu.memory_space<vmem>>, vector<128x2048xi32>
    tpu.vector_store %arg6[%swap3A_71, %swap3A_72], %or3A_70 {strides = array<i32>} : memref<512x2048xi32, #tpu.memory_space<vmem>>, vector<128x2048xi32>,
    %get3A_74 = arith.constant 2 : index
    %get3A_75 = arith.constant 0 : index
    %get3A_76 = arith.constant 0 : index
    %get3A_77 = vector.load %arg1[%get3A_74, %get3A_75, %get3A_76] : memref<4x3x2048xf32, #tpu.memory_space<vmem>>, vector<1x3x2048xf32>
    %get3A_78 = vector.shape_cast %get3A_77 : vector<1x3x2048xf32> to vector<3x2048xf32>
    %get3A_79 = arith.constant 2 : index
    %get3A_80 = arith.constant 0 : index
    %get3A_81 = arith.constant 0 : index
    %get3A_82 = vector.load %arg3[%get3A_79, %get3A_80, %get3A_81] : memref<4x128x3xf32, #tpu.memory_space<vmem>>, vector<1x128x3xf32>
    %get3A_83 = vector.shape_cast %get3A_82 : vector<1x128x3xf32> to vector<128x3xf32>
    %mul3A_84 = arith.mulf %get3A_78, %get3A_78 : vector<3x2048xf32>
    %reduce_sum3A_85 = arith.constant dense<0.000000e+00> : vector<2048xf32>
    %reduce_sum3A_86 = vector.multi_reduction <add>, %mul3A_84, %reduce_sum3A_85 [0] : vector<3x2048xf32> to vector<2048xf32>
    %broadcast_in_dim3A_87 = vector.shape_cast %reduce_sum3A_86 : vector<2048xf32> to vector<1x2048xf32>
    %mul3A_88 = arith.mulf %get3A_83, %get3A_83 : vector<128x3xf32>
    %reduce_sum3A_89 = arith.constant dense<0.000000e+00> : vector<128xf32>
    %reduce_sum3A_90 = vector.multi_reduction <add>, %mul3A_88, %reduce_sum3A_89 [1] : vector<128x3xf32> to vector<128xf32>
    %broadcast_in_dim3A_91 = vector.shape_cast %reduce_sum3A_90 : vector<128xf32> to vector<128x1xf32>
    %add3A_92 = vector.broadcast %broadcast_in_dim3A_91 : vector<128x1xf32> to vector<128x2048xf32>
    %add3A_93 = vector.broadcast %broadcast_in_dim3A_87 : vector<1x2048xf32> to vector<128x2048xf32>
    %add3A_94 = arith.addf %add3A_92, %add3A_93 : vector<128x2048xf32>
    %get3A_95 = arith.constant 2 : index
    %get3A_96 = arith.constant 0 : index
    %get3A_97 = arith.constant 0 : index
    %get3A_98 = vector.load %arg2[%get3A_95, %get3A_96, %get3A_97] : memref<4x2048x3xf32, #tpu.memory_space<vmem>>, vector<1x2048x3xf32>
    %get3A_99 = vector.shape_cast %get3A_98 : vector<1x2048x3xf32> to vector<2048x3xf32>
    %dot_general3A_100 = arith.constant dense<0.000000e+00> : vector<128x2048xf32>
    %dot_general3A_101 = tpu.matmul %get3A_83, %get3A_99, %dot_general3A_100 {dimension_numbers = #tpu.dot_dimension_numbers<[1], [1], [0], [0], [0, 0, 1, 0], [], []>, transpose_lhs_hint = false} : vector<128x3xf32>, vector<2048x3xf32>, vector<128x2048xf32> -> vector<128x2048xf32>
    %mul3A_102 = arith.constant 2.000000e+00 : f32
    %mul3A_103 = vector.broadcast %mul3A_102 : f32 to vector<128x2048xf32>
    %mul3A_104 = arith.mulf %mul3A_103, %dot_general3A_101 : vector<128x2048xf32>
    %sub3A_105 = arith.subf %add3A_94, %mul3A_104 : vector<128x2048xf32>
    %max3A_106 = arith.constant 0.000000e+00 : f32
    %max3A_107 = vector.broadcast %max3A_106 : f32 to vector<128x2048xf32>
    %max3A_108 = arith.maximumf %sub3A_105, %max3A_107 : vector<128x2048xf32>
    %bitcast_convert_type3A_109 = tpu.bitcast %max3A_108 : vector<128x2048xf32> -> vector<128x2048xi32>
    %and3A_110 = arith.constant -2048 : i32
    %and3A_111 = vector.broadcast %and3A_110 : i32 to vector<128x2048xi32>
    %and3A_112 = arith.andi %bitcast_convert_type3A_109, %and3A_111 : vector<128x2048xi32>
    %or3A_113 = arith.ori %and3A_112, %iota3A : vector<128x2048xi32>
    %swap3A_114 = arith.constant 256 : index
    %swap3A_115 = arith.constant 0 : index
    %swap3A_116 = vector.load %arg6[%swap3A_114, %swap3A_115] : memref<512x2048xi32, #tpu.memory_space<vmem>>, vector<128x2048xi32>
    tpu.vector_store %arg6[%swap3A_114, %swap3A_115], %or3A_113 {strides = array<i32>} : memref<512x2048xi32, #tpu.memory_space<vmem>>, vector<128x2048xi32>,
    %get3A_117 = arith.constant 3 : index
    %get3A_118 = arith.constant 0 : index
    %get3A_119 = arith.constant 0 : index
    %get3A_120 = vector.load %arg1[%get3A_117, %get3A_118, %get3A_119] : memref<4x3x2048xf32, #tpu.memory_space<vmem>>, vector<1x3x2048xf32>
    %get3A_121 = vector.shape_cast %get3A_120 : vector<1x3x2048xf32> to vector<3x2048xf32>
    %get3A_122 = arith.constant 3 : index
    %get3A_123 = arith.constant 0 : index
    %get3A_124 = arith.constant 0 : index
    %get3A_125 = vector.load %arg3[%get3A_122, %get3A_123, %get3A_124] : memref<4x128x3xf32, #tpu.memory_space<vmem>>, vector<1x128x3xf32>
    %get3A_126 = vector.shape_cast %get3A_125 : vector<1x128x3xf32> to vector<128x3xf32>
    %mul3A_127 = arith.mulf %get3A_121, %get3A_121 : vector<3x2048xf32>
    %reduce_sum3A_128 = arith.constant dense<0.000000e+00> : vector<2048xf32>
    %reduce_sum3A_129 = vector.multi_reduction <add>, %mul3A_127, %reduce_sum3A_128 [0] : vector<3x2048xf32> to vector<2048xf32>
    %broadcast_in_dim3A_130 = vector.shape_cast %reduce_sum3A_129 : vector<2048xf32> to vector<1x2048xf32>
    %mul3A_131 = arith.mulf %get3A_126, %get3A_126 : vector<128x3xf32>
    %reduce_sum3A_132 = arith.constant dense<0.000000e+00> : vector<128xf32>
    %reduce_sum3A_133 = vector.multi_reduction <add>, %mul3A_131, %reduce_sum3A_132 [1] : vector<128x3xf32> to vector<128xf32>
    %broadcast_in_dim3A_134 = vector.shape_cast %reduce_sum3A_133 : vector<128xf32> to vector<128x1xf32>
    %add3A_135 = vector.broadcast %broadcast_in_dim3A_134 : vector<128x1xf32> to vector<128x2048xf32>
    %add3A_136 = vector.broadcast %broadcast_in_dim3A_130 : vector<1x2048xf32> to vector<128x2048xf32>
    %add3A_137 = arith.addf %add3A_135, %add3A_136 : vector<128x2048xf32>
    %get3A_138 = arith.constant 3 : index
    %get3A_139 = arith.constant 0 : index
    %get3A_140 = arith.constant 0 : index
    %get3A_141 = vector.load %arg2[%get3A_138, %get3A_139, %get3A_140] : memref<4x2048x3xf32, #tpu.memory_space<vmem>>, vector<1x2048x3xf32>
    %get3A_142 = vector.shape_cast %get3A_141 : vector<1x2048x3xf32> to vector<2048x3xf32>
    %dot_general3A_143 = arith.constant dense<0.000000e+00> : vector<128x2048xf32>
    %dot_general3A_144 = tpu.matmul %get3A_126, %get3A_142, %dot_general3A_143 {dimension_numbers = #tpu.dot_dimension_numbers<[1], [1], [0], [0], [0, 0, 1, 0], [], []>, transpose_lhs_hint = false} : vector<128x3xf32>, vector<2048x3xf32>, vector<128x2048xf32> -> vector<128x2048xf32>
    %mul3A_145 = arith.constant 2.000000e+00 : f32
    %mul3A_146 = vector.broadcast %mul3A_145 : f32 to vector<128x2048xf32>
    %mul3A_147 = arith.mulf %mul3A_146, %dot_general3A_144 : vector<128x2048xf32>
    %sub3A_148 = arith.subf %add3A_137, %mul3A_147 : vector<128x2048xf32>
    %max3A_149 = arith.constant 0.000000e+00 : f32
    %max3A_150 = vector.broadcast %max3A_149 : f32 to vector<128x2048xf32>
    %max3A_151 = arith.maximumf %sub3A_148, %max3A_150 : vector<128x2048xf32>
    %bitcast_convert_type3A_152 = tpu.bitcast %max3A_151 : vector<128x2048xf32> -> vector<128x2048xi32>
    %and3A_153 = arith.constant -2048 : i32
    %and3A_154 = vector.broadcast %and3A_153 : i32 to vector<128x2048xi32>
    %and3A_155 = arith.andi %bitcast_convert_type3A_152, %and3A_154 : vector<128x2048xi32>
    %or3A_156 = arith.ori %and3A_155, %iota3A : vector<128x2048xi32>
    %swap3A_157 = arith.constant 384 : index
    %swap3A_158 = arith.constant 0 : index
    %swap3A_159 = vector.load %arg6[%swap3A_157, %swap3A_158] : memref<512x2048xi32, #tpu.memory_space<vmem>>, vector<128x2048xi32>
    tpu.vector_store %arg6[%swap3A_157, %swap3A_158], %or3A_156 {strides = array<i32>} : memref<512x2048xi32, #tpu.memory_space<vmem>>, vector<128x2048xi32>,
    %scan3A = arith.constant 0 : i32
    %scan3A_160 = arith.constant 32 : i32
    %scan3A_161 = arith.addi %scan3A, %scan3A_160 : i32
    %scan3A_162 = arith.constant 1 : i32
    scf.for %scan3A_164 = %scan3A to %scan3A_161 step %scan3A_162  : i32 {
      %get3A_165 = arith.constant 0 : index
      %get3A_166 = arith.constant 0 : index
      %get3A_167 = vector.load %arg6[%get3A_165, %get3A_166] : memref<512x2048xi32, #tpu.memory_space<vmem>>, vector<128x2048xi32>
      %reduce_min3A = arith.constant dense<2147483647> : vector<128xi32>
      %reduce_min3A_168 = vector.multi_reduction <minsi>, %get3A_167, %reduce_min3A [1] : vector<128x2048xi32> to vector<128xi32>
      %broadcast_in_dim3A_169 = vector.shape_cast %reduce_min3A_168 : vector<128xi32> to vector<128x1xi32>
      %eq3A = vector.broadcast %broadcast_in_dim3A_169 : vector<128x1xi32> to vector<128x2048xi32>
      %eq3A_170 = arith.cmpi eq, %get3A_167, %eq3A : vector<128x2048xi32>
      %jit3A = arith.constant 2147483647 : i32
      %broadcast_in_dim3A_171 = vector.broadcast %jit3A : i32 to vector<128x2048xi32>
      %select_n3A = arith.select %eq3A_170, %broadcast_in_dim3A_171, %get3A_167 : vector<128x2048xi1>, vector<128x2048xi32>
      %swap3A_172 = arith.constant 0 : index
      %swap3A_173 = arith.constant 0 : index
      %swap3A_174 = vector.load %arg6[%swap3A_172, %swap3A_173] : memref<512x2048xi32, #tpu.memory_space<vmem>>, vector<128x2048xi32>
      tpu.vector_store %arg6[%swap3A_172, %swap3A_173], %select_n3A {strides = array<i32>} : memref<512x2048xi32, #tpu.memory_space<vmem>>, vector<128x2048xi32>,
      %convert_element_type3A = arith.extui %eq3A_170 : vector<128x2048xi1> to vector<128x2048xi32>
      %convert_element_type3A_175 = arith.sitofp %convert_element_type3A : vector<128x2048xi32> to vector<128x2048xf32>
      %get3A_176 = arith.constant 0 : index
      %get3A_177 = arith.constant 0 : index
      %get3A_178 = arith.constant 0 : index
      %get3A_179 = vector.load %arg2[%get3A_176, %get3A_177, %get3A_178] : memref<4x2048x3xf32, #tpu.memory_space<vmem>>, vector<1x2048x3xf32>
      %get3A_180 = vector.shape_cast %get3A_179 : vector<1x2048x3xf32> to vector<2048x3xf32>
      %dot_general3A_181 = arith.constant dense<0.000000e+00> : vector<128x3xf32>
      %dot_general3A_182 = tpu.matmul %convert_element_type3A_175, %get3A_180, %dot_general3A_181 {dimension_numbers = #tpu.dot_dimension_numbers<[1], [0], [0], [1], [0, 0, 1, 1], [], []>, transpose_lhs_hint = false} : vector<128x2048xf32>, vector<2048x3xf32>, vector<128x3xf32> -> vector<128x3xf32>
      %get3A_183 = arith.constant 0 : index
      %get3A_184 = arith.constant 0 : index
      %get3A_185 = arith.constant 0 : index
      %get3A_186 = vector.load %arg3[%get3A_183, %get3A_184, %get3A_185] : memref<4x128x3xf32, #tpu.memory_space<vmem>>, vector<1x128x3xf32>
      %get3A_187 = vector.shape_cast %get3A_186 : vector<1x128x3xf32> to vector<128x3xf32>
      %sub3A_188 = arith.subf %dot_general3A_182, %get3A_187 : vector<128x3xf32>
      %broadcast_in_dim3A_189 = vector.shape_cast %sub3A_188 : vector<128x3xf32> to vector<1x128x3xf32>
      %swap3A_190 = arith.constant 0 : index
      %swap3A_191 = arith.index_cast %scan3A_164 : i32 to index
      %swap3A_192 = arith.constant 0 : index
      %swap3A_193 = arith.constant 0 : index
      %swap3A_194 = vector.load %arg4[%swap3A_190, %swap3A_191, %swap3A_192, %swap3A_193] : memref<4x32x128x3xf32, #tpu.memory_space<vmem>>, vector<1x1x128x3xf32>
      %swap3A_195 = vector.shape_cast %swap3A_194 : vector<1x1x128x3xf32> to vector<1x128x3xf32>
      %swap3A_196 = vector.shape_cast %broadcast_in_dim3A_189 : vector<1x128x3xf32> to vector<1x1x128x3xf32>
      tpu.vector_store %arg4[%swap3A_190, %swap3A_191, %swap3A_192, %swap3A_193], %swap3A_196 {strides = array<i32>} : memref<4x32x128x3xf32, #tpu.memory_space<vmem>>, vector<1x1x128x3xf32>,
      %transpose3A = tpu.transpose %sub3A_188, [1, 0] : vector<128x3xf32> -> vector<3x128xf32>
      %broadcast_in_dim3A_197 = vector.shape_cast %transpose3A : vector<3x128xf32> to vector<1x3x128xf32>
      %swap3A_198 = arith.index_cast %scan3A_164 : i32 to index
      %swap3A_199 = arith.constant 0 : index
      %swap3A_200 = arith.constant 0 : index
      %swap3A_201 = vector.load %arg5[%swap3A_198, %swap3A_199, %swap3A_200] : memref<32x3x512xf32, #tpu.memory_space<vmem>>, vector<1x3x128xf32>
      tpu.vector_store %arg5[%swap3A_198, %swap3A_199, %swap3A_200], %broadcast_in_dim3A_197 {strides = array<i32>} : memref<32x3x512xf32, #tpu.memory_space<vmem>>, vector<1x3x128xf32>,
      %get3A_202 = arith.constant 128 : index
      %get3A_203 = arith.constant 0 : index
      %get3A_204 = vector.load %arg6[%get3A_202, %get3A_203] : memref<512x2048xi32, #tpu.memory_space<vmem>>, vector<128x2048xi32>
      %reduce_min3A_205 = arith.constant dense<2147483647> : vector<128xi32>
      %reduce_min3A_206 = vector.multi_reduction <minsi>, %get3A_204, %reduce_min3A_205 [1] : vector<128x2048xi32> to vector<128xi32>
      %broadcast_in_dim3A_207 = vector.shape_cast %reduce_min3A_206 : vector<128xi32> to vector<128x1xi32>
      %eq3A_208 = vector.broadcast %broadcast_in_dim3A_207 : vector<128x1xi32> to vector<128x2048xi32>
      %eq3A_209 = arith.cmpi eq, %get3A_204, %eq3A_208 : vector<128x2048xi32>
      %jit3A_210 = arith.constant 2147483647 : i32
      %broadcast_in_dim3A_211 = vector.broadcast %jit3A_210 : i32 to vector<128x2048xi32>
      %select_n3A_212 = arith.select %eq3A_209, %broadcast_in_dim3A_211, %get3A_204 : vector<128x2048xi1>, vector<128x2048xi32>
      %swap3A_213 = arith.constant 128 : index
      %swap3A_214 = arith.constant 0 : index
      %swap3A_215 = vector.load %arg6[%swap3A_213, %swap3A_214] : memref<512x2048xi32, #tpu.memory_space<vmem>>, vector<128x2048xi32>
      tpu.vector_store %arg6[%swap3A_213, %swap3A_214], %select_n3A_212 {strides = array<i32>} : memref<512x2048xi32, #tpu.memory_space<vmem>>, vector<128x2048xi32>,
      %convert_element_type3A_216 = arith.extui %eq3A_209 : vector<128x2048xi1> to vector<128x2048xi32>
      %convert_element_type3A_217 = arith.sitofp %convert_element_type3A_216 : vector<128x2048xi32> to vector<128x2048xf32>
      %get3A_218 = arith.constant 1 : index
      %get3A_219 = arith.constant 0 : index
      %get3A_220 = arith.constant 0 : index
      %get3A_221 = vector.load %arg2[%get3A_218, %get3A_219, %get3A_220] : memref<4x2048x3xf32, #tpu.memory_space<vmem>>, vector<1x2048x3xf32>
      %get3A_222 = vector.shape_cast %get3A_221 : vector<1x2048x3xf32> to vector<2048x3xf32>
      %dot_general3A_223 = arith.constant dense<0.000000e+00> : vector<128x3xf32>
      %dot_general3A_224 = tpu.matmul %convert_element_type3A_217, %get3A_222, %dot_general3A_223 {dimension_numbers = #tpu.dot_dimension_numbers<[1], [0], [0], [1], [0, 0, 1, 1], [], []>, transpose_lhs_hint = false} : vector<128x2048xf32>, vector<2048x3xf32>, vector<128x3xf32> -> vector<128x3xf32>
      %get3A_225 = arith.constant 1 : index
      %get3A_226 = arith.constant 0 : index
      %get3A_227 = arith.constant 0 : index
      %get3A_228 = vector.load %arg3[%get3A_225, %get3A_226, %get3A_227] : memref<4x128x3xf32, #tpu.memory_space<vmem>>, vector<1x128x3xf32>
      %get3A_229 = vector.shape_cast %get3A_228 : vector<1x128x3xf32> to vector<128x3xf32>
      %sub3A_230 = arith.subf %dot_general3A_224, %get3A_229 : vector<128x3xf32>
      %broadcast_in_dim3A_231 = vector.shape_cast %sub3A_230 : vector<128x3xf32> to vector<1x128x3xf32>
      %swap3A_232 = arith.constant 1 : index
      %swap3A_233 = arith.index_cast %scan3A_164 : i32 to index
      %swap3A_234 = arith.constant 0 : index
      %swap3A_235 = arith.constant 0 : index
      %swap3A_236 = vector.load %arg4[%swap3A_232, %swap3A_233, %swap3A_234, %swap3A_235] : memref<4x32x128x3xf32, #tpu.memory_space<vmem>>, vector<1x1x128x3xf32>
      %swap3A_237 = vector.shape_cast %swap3A_236 : vector<1x1x128x3xf32> to vector<1x128x3xf32>
      %swap3A_238 = vector.shape_cast %broadcast_in_dim3A_231 : vector<1x128x3xf32> to vector<1x1x128x3xf32>
      tpu.vector_store %arg4[%swap3A_232, %swap3A_233, %swap3A_234, %swap3A_235], %swap3A_238 {strides = array<i32>} : memref<4x32x128x3xf32, #tpu.memory_space<vmem>>, vector<1x1x128x3xf32>,
      %transpose3A_239 = tpu.transpose %sub3A_230, [1, 0] : vector<128x3xf32> -> vector<3x128xf32>
      %broadcast_in_dim3A_240 = vector.shape_cast %transpose3A_239 : vector<3x128xf32> to vector<1x3x128xf32>
      %swap3A_241 = arith.index_cast %scan3A_164 : i32 to index
      %swap3A_242 = arith.constant 0 : index
      %swap3A_243 = arith.constant 128 : index
      %swap3A_244 = vector.load %arg5[%swap3A_241, %swap3A_242, %swap3A_243] : memref<32x3x512xf32, #tpu.memory_space<vmem>>, vector<1x3x128xf32>
      tpu.vector_store %arg5[%swap3A_241, %swap3A_242, %swap3A_243], %broadcast_in_dim3A_240 {strides = array<i32>} : memref<32x3x512xf32, #tpu.memory_space<vmem>>, vector<1x3x128xf32>,
      %get3A_245 = arith.constant 256 : index
      %get3A_246 = arith.constant 0 : index
      %get3A_247 = vector.load %arg6[%get3A_245, %get3A_246] : memref<512x2048xi32, #tpu.memory_space<vmem>>, vector<128x2048xi32>
      %reduce_min3A_248 = arith.constant dense<2147483647> : vector<128xi32>
      %reduce_min3A_249 = vector.multi_reduction <minsi>, %get3A_247, %reduce_min3A_248 [1] : vector<128x2048xi32> to vector<128xi32>
      %broadcast_in_dim3A_250 = vector.shape_cast %reduce_min3A_249 : vector<128xi32> to vector<128x1xi32>
      %eq3A_251 = vector.broadcast %broadcast_in_dim3A_250 : vector<128x1xi32> to vector<128x2048xi32>
      %eq3A_252 = arith.cmpi eq, %get3A_247, %eq3A_251 : vector<128x2048xi32>
      %jit3A_253 = arith.constant 2147483647 : i32
      %broadcast_in_dim3A_254 = vector.broadcast %jit3A_253 : i32 to vector<128x2048xi32>
      %select_n3A_255 = arith.select %eq3A_252, %broadcast_in_dim3A_254, %get3A_247 : vector<128x2048xi1>, vector<128x2048xi32>
      %swap3A_256 = arith.constant 256 : index
      %swap3A_257 = arith.constant 0 : index
      %swap3A_258 = vector.load %arg6[%swap3A_256, %swap3A_257] : memref<512x2048xi32, #tpu.memory_space<vmem>>, vector<128x2048xi32>
      tpu.vector_store %arg6[%swap3A_256, %swap3A_257], %select_n3A_255 {strides = array<i32>} : memref<512x2048xi32, #tpu.memory_space<vmem>>, vector<128x2048xi32>,
      %convert_element_type3A_259 = arith.extui %eq3A_252 : vector<128x2048xi1> to vector<128x2048xi32>
      %convert_element_type3A_260 = arith.sitofp %convert_element_type3A_259 : vector<128x2048xi32> to vector<128x2048xf32>
      %get3A_261 = arith.constant 2 : index
      %get3A_262 = arith.constant 0 : index
      %get3A_263 = arith.constant 0 : index
      %get3A_264 = vector.load %arg2[%get3A_261, %get3A_262, %get3A_263] : memref<4x2048x3xf32, #tpu.memory_space<vmem>>, vector<1x2048x3xf32>
      %get3A_265 = vector.shape_cast %get3A_264 : vector<1x2048x3xf32> to vector<2048x3xf32>
      %dot_general3A_266 = arith.constant dense<0.000000e+00> : vector<128x3xf32>
      %dot_general3A_267 = tpu.matmul %convert_element_type3A_260, %get3A_265, %dot_general3A_266 {dimension_numbers = #tpu.dot_dimension_numbers<[1], [0], [0], [1], [0, 0, 1, 1], [], []>, transpose_lhs_hint = false} : vector<128x2048xf32>, vector<2048x3xf32>, vector<128x3xf32> -> vector<128x3xf32>
      %get3A_268 = arith.constant 2 : index
      %get3A_269 = arith.constant 0 : index
      %get3A_270 = arith.constant 0 : index
      %get3A_271 = vector.load %arg3[%get3A_268, %get3A_269, %get3A_270] : memref<4x128x3xf32, #tpu.memory_space<vmem>>, vector<1x128x3xf32>
      %get3A_272 = vector.shape_cast %get3A_271 : vector<1x128x3xf32> to vector<128x3xf32>
      %sub3A_273 = arith.subf %dot_general3A_267, %get3A_272 : vector<128x3xf32>
      %broadcast_in_dim3A_274 = vector.shape_cast %sub3A_273 : vector<128x3xf32> to vector<1x128x3xf32>
      %swap3A_275 = arith.constant 2 : index
      %swap3A_276 = arith.index_cast %scan3A_164 : i32 to index
      %swap3A_277 = arith.constant 0 : index
      %swap3A_278 = arith.constant 0 : index
      %swap3A_279 = vector.load %arg4[%swap3A_275, %swap3A_276, %swap3A_277, %swap3A_278] : memref<4x32x128x3xf32, #tpu.memory_space<vmem>>, vector<1x1x128x3xf32>
      %swap3A_280 = vector.shape_cast %swap3A_279 : vector<1x1x128x3xf32> to vector<1x128x3xf32>
      %swap3A_281 = vector.shape_cast %broadcast_in_dim3A_274 : vector<1x128x3xf32> to vector<1x1x128x3xf32>
      tpu.vector_store %arg4[%swap3A_275, %swap3A_276, %swap3A_277, %swap3A_278], %swap3A_281 {strides = array<i32>} : memref<4x32x128x3xf32, #tpu.memory_space<vmem>>, vector<1x1x128x3xf32>,
      %transpose3A_282 = tpu.transpose %sub3A_273, [1, 0] : vector<128x3xf32> -> vector<3x128xf32>
      %broadcast_in_dim3A_283 = vector.shape_cast %transpose3A_282 : vector<3x128xf32> to vector<1x3x128xf32>
      %swap3A_284 = arith.index_cast %scan3A_164 : i32 to index
      %swap3A_285 = arith.constant 0 : index
      %swap3A_286 = arith.constant 256 : index
      %swap3A_287 = vector.load %arg5[%swap3A_284, %swap3A_285, %swap3A_286] : memref<32x3x512xf32, #tpu.memory_space<vmem>>, vector<1x3x128xf32>
      tpu.vector_store %arg5[%swap3A_284, %swap3A_285, %swap3A_286], %broadcast_in_dim3A_283 {strides = array<i32>} : memref<32x3x512xf32, #tpu.memory_space<vmem>>, vector<1x3x128xf32>,
      %get3A_288 = arith.constant 384 : index
      %get3A_289 = arith.constant 0 : index
      %get3A_290 = vector.load %arg6[%get3A_288, %get3A_289] : memref<512x2048xi32, #tpu.memory_space<vmem>>, vector<128x2048xi32>
      %reduce_min3A_291 = arith.constant dense<2147483647> : vector<128xi32>
      %reduce_min3A_292 = vector.multi_reduction <minsi>, %get3A_290, %reduce_min3A_291 [1] : vector<128x2048xi32> to vector<128xi32>
      %broadcast_in_dim3A_293 = vector.shape_cast %reduce_min3A_292 : vector<128xi32> to vector<128x1xi32>
      %eq3A_294 = vector.broadcast %broadcast_in_dim3A_293 : vector<128x1xi32> to vector<128x2048xi32>
      %eq3A_295 = arith.cmpi eq, %get3A_290, %eq3A_294 : vector<128x2048xi32>
      %jit3A_296 = arith.constant 2147483647 : i32
      %broadcast_in_dim3A_297 = vector.broadcast %jit3A_296 : i32 to vector<128x2048xi32>
      %select_n3A_298 = arith.select %eq3A_295, %broadcast_in_dim3A_297, %get3A_290 : vector<128x2048xi1>, vector<128x2048xi32>
      %swap3A_299 = arith.constant 384 : index
      %swap3A_300 = arith.constant 0 : index
      %swap3A_301 = vector.load %arg6[%swap3A_299, %swap3A_300] : memref<512x2048xi32, #tpu.memory_space<vmem>>, vector<128x2048xi32>
      tpu.vector_store %arg6[%swap3A_299, %swap3A_300], %select_n3A_298 {strides = array<i32>} : memref<512x2048xi32, #tpu.memory_space<vmem>>, vector<128x2048xi32>,
      %convert_element_type3A_302 = arith.extui %eq3A_295 : vector<128x2048xi1> to vector<128x2048xi32>
      %convert_element_type3A_303 = arith.sitofp %convert_element_type3A_302 : vector<128x2048xi32> to vector<128x2048xf32>
      %get3A_304 = arith.constant 3 : index
      %get3A_305 = arith.constant 0 : index
      %get3A_306 = arith.constant 0 : index
      %get3A_307 = vector.load %arg2[%get3A_304, %get3A_305, %get3A_306] : memref<4x2048x3xf32, #tpu.memory_space<vmem>>, vector<1x2048x3xf32>
      %get3A_308 = vector.shape_cast %get3A_307 : vector<1x2048x3xf32> to vector<2048x3xf32>
      %dot_general3A_309 = arith.constant dense<0.000000e+00> : vector<128x3xf32>
      %dot_general3A_310 = tpu.matmul %convert_element_type3A_303, %get3A_308, %dot_general3A_309 {dimension_numbers = #tpu.dot_dimension_numbers<[1], [0], [0], [1], [0, 0, 1, 1], [], []>, transpose_lhs_hint = false} : vector<128x2048xf32>, vector<2048x3xf32>, vector<128x3xf32> -> vector<128x3xf32>
      %get3A_311 = arith.constant 3 : index
      %get3A_312 = arith.constant 0 : index
      %get3A_313 = arith.constant 0 : index
      %get3A_314 = vector.load %arg3[%get3A_311, %get3A_312, %get3A_313] : memref<4x128x3xf32, #tpu.memory_space<vmem>>, vector<1x128x3xf32>
      %get3A_315 = vector.shape_cast %get3A_314 : vector<1x128x3xf32> to vector<128x3xf32>
      %sub3A_316 = arith.subf %dot_general3A_310, %get3A_315 : vector<128x3xf32>
      %broadcast_in_dim3A_317 = vector.shape_cast %sub3A_316 : vector<128x3xf32> to vector<1x128x3xf32>
      %swap3A_318 = arith.constant 3 : index
      %swap3A_319 = arith.index_cast %scan3A_164 : i32 to index
      %swap3A_320 = arith.constant 0 : index
      %swap3A_321 = arith.constant 0 : index
      %swap3A_322 = vector.load %arg4[%swap3A_318, %swap3A_319, %swap3A_320, %swap3A_321] : memref<4x32x128x3xf32, #tpu.memory_space<vmem>>, vector<1x1x128x3xf32>
      %swap3A_323 = vector.shape_cast %swap3A_322 : vector<1x1x128x3xf32> to vector<1x128x3xf32>
      %swap3A_324 = vector.shape_cast %broadcast_in_dim3A_317 : vector<1x128x3xf32> to vector<1x1x128x3xf32>
      tpu.vector_store %arg4[%swap3A_318, %swap3A_319, %swap3A_320, %swap3A_321], %swap3A_324 {strides = array<i32>} : memref<4x32x128x3xf32, #tpu.memory_space<vmem>>, vector<1x1x128x3xf32>,
      %transpose3A_325 = tpu.transpose %sub3A_316, [1, 0] : vector<128x3xf32> -> vector<3x128xf32>
      %broadcast_in_dim3A_326 = vector.shape_cast %transpose3A_325 : vector<3x128xf32> to vector<1x3x128xf32>
      %swap3A_327 = arith.index_cast %scan3A_164 : i32 to index
      %swap3A_328 = arith.constant 0 : index
      %swap3A_329 = arith.constant 384 : index
      %swap3A_330 = vector.load %arg5[%swap3A_327, %swap3A_328, %swap3A_329] : memref<32x3x512xf32, #tpu.memory_space<vmem>>, vector<1x3x128xf32>
      tpu.vector_store %arg5[%swap3A_327, %swap3A_328, %swap3A_329], %broadcast_in_dim3A_326 {strides = array<i32>} : memref<32x3x512xf32, #tpu.memory_space<vmem>>, vector<1x3x128xf32>,
    }
    %scan3A_163 = arith.constant 32 : i32
    return
  }
  func.func @transform_0(%arg0: i32) -> (i32, i32, i32) {
    %c0_i32 = arith.constant 0 : i32
    %c0_i32_0 = arith.constant 0 : i32
    %c0_i32_1 = arith.constant 0 : i32
    return %arg0, %c0_i32, %c0_i32_0 : i32, i32, i32
  }
  func.func @transform_1(%arg0: i32) -> (i32, i32, i32) {
    %c0_i32 = arith.constant 0 : i32
    %c0_i32_0 = arith.constant 0 : i32
    %c0_i32_1 = arith.constant 0 : i32
    return %arg0, %c0_i32, %c0_i32_0 : i32, i32, i32
  }
  func.func @transform_2(%arg0: i32) -> (i32, i32, i32) {
    %c0_i32 = arith.constant 0 : i32
    %c0_i32_0 = arith.constant 0 : i32
    %c0_i32_1 = arith.constant 0 : i32
    return %arg0, %c0_i32, %c0_i32_0 : i32, i32, i32
  }
  func.func @transform_3(%arg0: i32) -> (i32, i32, i32, i32) {
    %c0_i32 = arith.constant 0 : i32
    %c0_i32_0 = arith.constant 0 : i32
    %c0_i32_1 = arith.constant 0 : i32
    %c0_i32_2 = arith.constant 0 : i32
    return %arg0, %c0_i32, %c0_i32_0, %c0_i32_1 : i32, i32, i32, i32
  }
  func.func @transform_4(%arg0: i32) -> (i32, i32, i32) {
    %c0_i32 = arith.constant 0 : i32
    %c0_i32_0 = arith.constant 0 : i32
    %c0_i32_1 = arith.constant 0 : i32
    return %c0_i32, %c0_i32_0, %arg0 : i32, i32, i32
  }
}

module attributes {stable_mosaic.version = 14 : i64} {
  func.func @_enca_body(%arg0: i32, %arg1: memref<4096x3xf32, #tpu.memory_space<vmem>>, %arg2: memref<3x128xf32, #tpu.memory_space<vmem>>, %arg3: memref<1x128xf32, #tpu.memory_space<vmem>>, %arg4: memref<8x128xf32, #tpu.memory_space<vmem>>) attributes {dimension_semantics = [#tpu.dimension_semantics<arbitrary>], iteration_bounds = array<i64: 16>, scalar_prefetch = 0 : i64, scratch_operands = 0 : i64, tpu.core_type = #tpu.core_type<tc>, window_params = [{transform_indices = @transform_0, window_bounds = array<i64: 4096, 3>}, {pipeline_mode = #tpu.pipeline_mode<synchronous>, transform_indices = @transform_1, window_bounds = array<i64: 3, 128>}, {pipeline_mode = #tpu.pipeline_mode<synchronous>, transform_indices = @transform_2, window_bounds = array<i64: 1, 128>}, {pipeline_mode = #tpu.pipeline_mode<synchronous>, transform_indices = @transform_3, window_bounds = array<i64: 8, 128>}]} {
    %get3A = arith.constant 0 : index
    %get3A_0 = arith.constant 0 : index
    %get3A_1 = vector.load %arg1[%get3A, %get3A_0] : memref<4096x3xf32, #tpu.memory_space<vmem>>, vector<4096x3xf32>
    %get3A_2 = arith.constant 0 : index
    %get3A_3 = arith.constant 0 : index
    %get3A_4 = vector.load %arg2[%get3A_2, %get3A_3] : memref<3x128xf32, #tpu.memory_space<vmem>>, vector<3x128xf32>
    %dot_general3A = arith.constant dense<0.000000e+00> : vector<4096x128xf32>
    %dot_general3A_5 = tpu.matmul %get3A_1, %get3A_4, %dot_general3A {dimension_numbers = #tpu.dot_dimension_numbers<[1], [0], [0], [1], [0, 0, 1, 1], [], []>, transpose_lhs_hint = false} : vector<4096x3xf32>, vector<3x128xf32>, vector<4096x128xf32> -> vector<4096x128xf32>
    %get3A_6 = arith.constant 0 : index
    %get3A_7 = arith.constant 0 : index
    %get3A_8 = vector.load %arg3[%get3A_6, %get3A_7] : memref<1x128xf32, #tpu.memory_space<vmem>>, vector<1x128xf32>
    %add3A = vector.broadcast %get3A_8 : vector<1x128xf32> to vector<4096x128xf32>
    %add3A_9 = arith.addf %dot_general3A_5, %add3A : vector<4096x128xf32>
    %reduce_sum3A = arith.constant dense<0.000000e+00> : vector<128xf32>
    %reduce_sum3A_10 = vector.multi_reduction <add>, %add3A_9, %reduce_sum3A [0] : vector<4096x128xf32> to vector<128xf32>
    %broadcast_in_dim3A = vector.shape_cast %reduce_sum3A_10 : vector<128xf32> to vector<1x128xf32>
    %mul3A = arith.mulf %add3A_9, %add3A_9 : vector<4096x128xf32>
    %reduce_sum3A_11 = arith.constant dense<0.000000e+00> : vector<128xf32>
    %reduce_sum3A_12 = vector.multi_reduction <add>, %mul3A, %reduce_sum3A_11 [0] : vector<4096x128xf32> to vector<128xf32>
    %broadcast_in_dim3A_13 = vector.shape_cast %reduce_sum3A_12 : vector<128xf32> to vector<1x128xf32>
    %eq3A = arith.constant 0 : i32
    %eq3A_14 = arith.cmpi eq, %arg0, %eq3A : i32
    %convert_element_type3A = arith.extui %eq3A_14 : i1 to i32
    %cond3A = arith.constant 0 : i32
    %cond3A_15 = arith.cmpi ne, %convert_element_type3A, %cond3A : i32
    scf.if %cond3A_15 {
      %broadcast_in_dim3A_29 = arith.constant 0.000000e+00 : f32
      %broadcast_in_dim3A_30 = vector.broadcast %broadcast_in_dim3A_29 : f32 to vector<8x128xf32>
      %swap3A_31 = arith.constant 0 : index
      %swap3A_32 = arith.constant 0 : index
      %swap3A_33 = vector.load %arg4[%swap3A_31, %swap3A_32] : memref<8x128xf32, #tpu.memory_space<vmem>>, vector<8x128xf32>
      tpu.vector_store %arg4[%swap3A_31, %swap3A_32], %broadcast_in_dim3A_30 {strides = array<i32>} : memref<8x128xf32, #tpu.memory_space<vmem>>, vector<8x128xf32>,
    } else {
    }
    %get3A_16 = arith.constant 0 : index
    %get3A_17 = arith.constant 0 : index
    %get3A_18 = vector.load %arg4[%get3A_16, %get3A_17] : memref<8x128xf32, #tpu.memory_space<vmem>>, vector<1x128xf32>
    %add3A_19 = arith.addf %get3A_18, %broadcast_in_dim3A : vector<1x128xf32>
    %swap3A = arith.constant 0 : index
    %swap3A_20 = arith.constant 0 : index
    %swap3A_21 = vector.load %arg4[%swap3A, %swap3A_20] : memref<8x128xf32, #tpu.memory_space<vmem>>, vector<1x128xf32>
    tpu.vector_store %arg4[%swap3A, %swap3A_20], %add3A_19 {strides = array<i32>} : memref<8x128xf32, #tpu.memory_space<vmem>>, vector<1x128xf32>,
    %get3A_22 = arith.constant 1 : index
    %get3A_23 = arith.constant 0 : index
    %get3A_24 = vector.load %arg4[%get3A_22, %get3A_23] : memref<8x128xf32, #tpu.memory_space<vmem>>, vector<1x128xf32>
    %add3A_25 = arith.addf %get3A_24, %broadcast_in_dim3A_13 : vector<1x128xf32>
    %swap3A_26 = arith.constant 1 : index
    %swap3A_27 = arith.constant 0 : index
    %swap3A_28 = vector.load %arg4[%swap3A_26, %swap3A_27] : memref<8x128xf32, #tpu.memory_space<vmem>>, vector<1x128xf32>
    tpu.vector_store %arg4[%swap3A_26, %swap3A_27], %add3A_25 {strides = array<i32>} : memref<8x128xf32, #tpu.memory_space<vmem>>, vector<1x128xf32>,
    return
  }
  func.func @transform_0(%arg0: i32) -> (i32, i32) {
    %c0_i32 = arith.constant 0 : i32
    %c0_i32_0 = arith.constant 0 : i32
    return %arg0, %c0_i32 : i32, i32
  }
  func.func @transform_1(%arg0: i32) -> (i32, i32) {
    %c0_i32 = arith.constant 0 : i32
    %c0_i32_0 = arith.constant 0 : i32
    %c0_i32_1 = arith.constant 0 : i32
    return %c0_i32, %c0_i32_0 : i32, i32
  }
  func.func @transform_2(%arg0: i32) -> (i32, i32) {
    %c0_i32 = arith.constant 0 : i32
    %c0_i32_0 = arith.constant 0 : i32
    %c0_i32_1 = arith.constant 0 : i32
    return %c0_i32, %c0_i32_0 : i32, i32
  }
  func.func @transform_3(%arg0: i32) -> (i32, i32) {
    %c0_i32 = arith.constant 0 : i32
    %c0_i32_0 = arith.constant 0 : i32
    %c0_i32_1 = arith.constant 0 : i32
    return %c0_i32, %c0_i32_0 : i32, i32
  }
}

module attributes {stable_mosaic.version = 14 : i64} {
  func.func @_encb_body(%arg0: i32, %arg1: memref<4096x3xf32, #tpu.memory_space<vmem>>, %arg2: memref<8x128xf32, #tpu.memory_space<vmem>>, %arg3: memref<3x128xf32, #tpu.memory_space<vmem>>, %arg4: memref<1x128xf32, #tpu.memory_space<vmem>>, %arg5: memref<1x128xf32, #tpu.memory_space<vmem>>, %arg6: memref<1x128xf32, #tpu.memory_space<vmem>>, %arg7: memref<128x256xf32, #tpu.memory_space<vmem>>, %arg8: memref<1x256xf32, #tpu.memory_space<vmem>>, %arg9: memref<256x512xf32, #tpu.memory_space<vmem>>, %arg10: memref<256x512xf32, #tpu.memory_space<vmem>>, %arg11: memref<1x512xf32, #tpu.memory_space<vmem>>, %arg12: memref<4096x512xbf16, #tpu.memory_space<vmem>>, %arg13: memref<8x512xf32, #tpu.memory_space<vmem>>) attributes {dimension_semantics = [#tpu.dimension_semantics<arbitrary>], iteration_bounds = array<i64: 16>, scalar_prefetch = 0 : i64, scratch_operands = 0 : i64, tpu.core_type = #tpu.core_type<tc>, window_params = [{transform_indices = @transform_0, window_bounds = array<i64: 4096, 3>}, {pipeline_mode = #tpu.pipeline_mode<synchronous>, transform_indices = @transform_1, window_bounds = array<i64: 8, 128>}, {pipeline_mode = #tpu.pipeline_mode<synchronous>, transform_indices = @transform_2, window_bounds = array<i64: 3, 128>}, {pipeline_mode = #tpu.pipeline_mode<synchronous>, transform_indices = @transform_3, window_bounds = array<i64: 1, 128>}, {pipeline_mode = #tpu.pipeline_mode<synchronous>, transform_indices = @transform_4, window_bounds = array<i64: 1, 128>}, {pipeline_mode = #tpu.pipeline_mode<synchronous>, transform_indices = @transform_5, window_bounds = array<i64: 1, 128>}, {pipeline_mode = #tpu.pipeline_mode<synchronous>, transform_indices = @transform_6, window_bounds = array<i64: 128, 256>}, {pipeline_mode = #tpu.pipeline_mode<synchronous>, transform_indices = @transform_7, window_bounds = array<i64: 1, 256>}, {pipeline_mode = #tpu.pipeline_mode<synchronous>, transform_indices = @transform_8, window_bounds = array<i64: 256, 512>}, {pipeline_mode = #tpu.pipeline_mode<synchronous>, transform_indices = @transform_9, window_bounds = array<i64: 256, 512>}, {pipeline_mode = #tpu.pipeline_mode<synchronous>, transform_indices = @transform_10, window_bounds = array<i64: 1, 512>}, {transform_indices = @transform_11, window_bounds = array<i64: 4096, 512>}, {pipeline_mode = #tpu.pipeline_mode<synchronous>, transform_indices = @transform_12, window_bounds = array<i64: 8, 512>}]} {
    %get3A = arith.constant 0 : index
    %get3A_0 = arith.constant 0 : index
    %get3A_1 = vector.load %arg1[%get3A, %get3A_0] : memref<4096x3xf32, #tpu.memory_space<vmem>>, vector<4096x3xf32>
    %get3A_2 = arith.constant 0 : index
    %get3A_3 = arith.constant 0 : index
    %get3A_4 = vector.load %arg3[%get3A_2, %get3A_3] : memref<3x128xf32, #tpu.memory_space<vmem>>, vector<3x128xf32>
    %dot_general3A = arith.constant dense<0.000000e+00> : vector<4096x128xf32>
    %dot_general3A_5 = tpu.matmul %get3A_1, %get3A_4, %dot_general3A {dimension_numbers = #tpu.dot_dimension_numbers<[1], [0], [0], [1], [0, 0, 1, 1], [], []>, transpose_lhs_hint = false} : vector<4096x3xf32>, vector<3x128xf32>, vector<4096x128xf32> -> vector<4096x128xf32>
    %get3A_6 = arith.constant 0 : index
    %get3A_7 = arith.constant 0 : index
    %get3A_8 = vector.load %arg4[%get3A_6, %get3A_7] : memref<1x128xf32, #tpu.memory_space<vmem>>, vector<1x128xf32>
    %add3A = vector.broadcast %get3A_8 : vector<1x128xf32> to vector<4096x128xf32>
    %add3A_9 = arith.addf %dot_general3A_5, %add3A : vector<4096x128xf32>
    %get3A_10 = arith.constant 0 : index
    %get3A_11 = arith.constant 0 : index
    %get3A_12 = vector.load %arg2[%get3A_10, %get3A_11] : memref<8x128xf32, #tpu.memory_space<vmem>>, vector<8x128xf32>
    %get3A_13 = arith.constant 0 : index
    %get3A_14 = arith.constant 0 : index
    %get3A_15 = vector.load %arg5[%get3A_13, %get3A_14] : memref<1x128xf32, #tpu.memory_space<vmem>>, vector<1x128xf32>
    %get3A_16 = arith.constant 0 : index
    %get3A_17 = arith.constant 0 : index
    %get3A_18 = vector.load %arg6[%get3A_16, %get3A_17] : memref<1x128xf32, #tpu.memory_space<vmem>>, vector<1x128xf32>
    %slice3A = vector.extract_strided_slice %get3A_12 {offsets = [0, 0], sizes = [1, 128], strides = [1, 1]} : vector<8x128xf32> to vector<1x128xf32>
    %div3A = arith.constant 6.553600e+04 : f32
    %div3A_19 = vector.broadcast %div3A : f32 to vector<1x128xf32>
    %div3A_20 = arith.divf %slice3A, %div3A_19 : vector<1x128xf32>
    %slice3A_21 = vector.extract_strided_slice %get3A_12 {offsets = [1, 0], sizes = [1, 128], strides = [1, 1]} : vector<8x128xf32> to vector<1x128xf32>
    %div3A_22 = arith.constant 6.553600e+04 : f32
    %div3A_23 = vector.broadcast %div3A_22 : f32 to vector<1x128xf32>
    %div3A_24 = arith.divf %slice3A_21, %div3A_23 : vector<1x128xf32>
    %mul3A = arith.mulf %div3A_20, %div3A_20 : vector<1x128xf32>
    %sub3A = arith.subf %div3A_24, %mul3A : vector<1x128xf32>
    %sub3A_25 = vector.broadcast %div3A_20 : vector<1x128xf32> to vector<4096x128xf32>
    %sub3A_26 = arith.subf %add3A_9, %sub3A_25 : vector<4096x128xf32>
    %add3A_27 = arith.constant 9.99999974E-6 : f32
    %add3A_28 = vector.broadcast %add3A_27 : f32 to vector<1x128xf32>
    %add3A_29 = arith.addf %sub3A, %add3A_28 : vector<1x128xf32>
    %sqrt3A = math.sqrt %add3A_29 : vector<1x128xf32>
    %div3A_30 = arith.divf %get3A_15, %sqrt3A : vector<1x128xf32>
    %mul3A_31 = vector.broadcast %div3A_30 : vector<1x128xf32> to vector<4096x128xf32>
    %mul3A_32 = arith.mulf %sub3A_26, %mul3A_31 : vector<4096x128xf32>
    %add3A_33 = vector.broadcast %get3A_18 : vector<1x128xf32> to vector<4096x128xf32>
    %add3A_34 = arith.addf %mul3A_32, %add3A_33 : vector<4096x128xf32>
    %max3A = arith.constant 0.000000e+00 : f32
    %max3A_35 = vector.broadcast %max3A : f32 to vector<4096x128xf32>
    %max3A_36 = arith.maximumf %add3A_34, %max3A_35 : vector<4096x128xf32>
    %get3A_37 = arith.constant 0 : index
    %get3A_38 = arith.constant 0 : index
    %get3A_39 = vector.load %arg7[%get3A_37, %get3A_38] : memref<128x256xf32, #tpu.memory_space<vmem>>, vector<128x256xf32>
    %dot_general3A_40 = arith.constant dense<0.000000e+00> : vector<4096x256xf32>
    %dot_general3A_41 = tpu.matmul %max3A_36, %get3A_39, %dot_general3A_40 {dimension_numbers = #tpu.dot_dimension_numbers<[1], [0], [0], [1], [0, 0, 1, 1], [], []>, transpose_lhs_hint = false} : vector<4096x128xf32>, vector<128x256xf32>, vector<4096x256xf32> -> vector<4096x256xf32>
    %get3A_42 = arith.constant 0 : index
    %get3A_43 = arith.constant 0 : index
    %get3A_44 = vector.load %arg8[%get3A_42, %get3A_43] : memref<1x256xf32, #tpu.memory_space<vmem>>, vector<1x256xf32>
    %add3A_45 = vector.broadcast %get3A_44 : vector<1x256xf32> to vector<4096x256xf32>
    %add3A_46 = arith.addf %dot_general3A_41, %add3A_45 : vector<4096x256xf32>
    %reshape3A = vector.shape_cast %add3A_46 : vector<4096x256xf32> to vector<32x128x256xf32>
    %reduce_max3A = arith.constant dense<0xFF800000> : vector<128x256xf32>
    %reduce_max3A_47 = vector.multi_reduction <maximumf>, %reshape3A, %reduce_max3A [0] : vector<32x128x256xf32> to vector<128x256xf32>
    %get3A_48 = arith.constant 0 : index
    %get3A_49 = arith.constant 0 : index
    %get3A_50 = vector.load %arg9[%get3A_48, %get3A_49] : memref<256x512xf32, #tpu.memory_space<vmem>>, vector<256x512xf32>
    %dot_general3A_51 = arith.constant dense<0.000000e+00> : vector<128x512xf32>
    %dot_general3A_52 = tpu.matmul %reduce_max3A_47, %get3A_50, %dot_general3A_51 {dimension_numbers = #tpu.dot_dimension_numbers<[1], [0], [0], [1], [0, 0, 1, 1], [], []>, transpose_lhs_hint = false} : vector<128x256xf32>, vector<256x512xf32>, vector<128x512xf32> -> vector<128x512xf32>
    %broadcast_in_dim3A = vector.shape_cast %dot_general3A_52 : vector<128x512xf32> to vector<1x128x512xf32>
    %broadcast_in_dim3A_53 = vector.shape_cast %broadcast_in_dim3A : vector<1x128x512xf32> to vector<1x128x512xf32>
    %broadcast_in_dim3A_54 = vector.broadcast %broadcast_in_dim3A_53 : vector<1x128x512xf32> to vector<32x128x512xf32>
    %reshape3A_55 = vector.shape_cast %broadcast_in_dim3A_54 : vector<32x128x512xf32> to vector<4096x512xf32>
    %get3A_56 = arith.constant 0 : index
    %get3A_57 = arith.constant 0 : index
    %get3A_58 = vector.load %arg10[%get3A_56, %get3A_57] : memref<256x512xf32, #tpu.memory_space<vmem>>, vector<256x512xf32>
    %dot_general3A_59 = arith.constant dense<0.000000e+00> : vector<4096x512xf32>
    %dot_general3A_60 = tpu.matmul %add3A_46, %get3A_58, %dot_general3A_59 {dimension_numbers = #tpu.dot_dimension_numbers<[1], [0], [0], [1], [0, 0, 1, 1], [], []>, transpose_lhs_hint = false} : vector<4096x256xf32>, vector<256x512xf32>, vector<4096x512xf32> -> vector<4096x512xf32>
    %add3A_61 = arith.addf %reshape3A_55, %dot_general3A_60 : vector<4096x512xf32>
    %get3A_62 = arith.constant 0 : index
    %get3A_63 = arith.constant 0 : index
    %get3A_64 = vector.load %arg11[%get3A_62, %get3A_63] : memref<1x512xf32, #tpu.memory_space<vmem>>, vector<1x512xf32>
    %add3A_65 = vector.broadcast %get3A_64 : vector<1x512xf32> to vector<4096x512xf32>
    %add3A_66 = arith.addf %add3A_61, %add3A_65 : vector<4096x512xf32>
    %convert_element_type3A = arith.truncf %add3A_66 : vector<4096x512xf32> to vector<4096x512xbf16>
    %swap3A = arith.constant 0 : index
    %swap3A_67 = arith.constant 0 : index
    %swap3A_68 = vector.load %arg12[%swap3A, %swap3A_67] : memref<4096x512xbf16, #tpu.memory_space<vmem>>, vector<4096x512xbf16>
    tpu.vector_store %arg12[%swap3A, %swap3A_67], %convert_element_type3A {strides = array<i32>} : memref<4096x512xbf16, #tpu.memory_space<vmem>>, vector<4096x512xbf16>,
    %reduce_sum3A = arith.constant dense<0.000000e+00> : vector<512xf32>
    %reduce_sum3A_69 = vector.multi_reduction <add>, %add3A_66, %reduce_sum3A [0] : vector<4096x512xf32> to vector<512xf32>
    %broadcast_in_dim3A_70 = vector.shape_cast %reduce_sum3A_69 : vector<512xf32> to vector<1x512xf32>
    %mul3A_71 = arith.mulf %add3A_66, %add3A_66 : vector<4096x512xf32>
    %reduce_sum3A_72 = arith.constant dense<0.000000e+00> : vector<512xf32>
    %reduce_sum3A_73 = vector.multi_reduction <add>, %mul3A_71, %reduce_sum3A_72 [0] : vector<4096x512xf32> to vector<512xf32>
    %broadcast_in_dim3A_74 = vector.shape_cast %reduce_sum3A_73 : vector<512xf32> to vector<1x512xf32>
    %eq3A = arith.constant 0 : i32
    %eq3A_75 = arith.cmpi eq, %arg0, %eq3A : i32
    %convert_element_type3A_76 = arith.extui %eq3A_75 : i1 to i32
    %cond3A = arith.constant 0 : i32
    %cond3A_77 = arith.cmpi ne, %convert_element_type3A_76, %cond3A : i32
    scf.if %cond3A_77 {
      %broadcast_in_dim3A_92 = arith.constant 0.000000e+00 : f32
      %broadcast_in_dim3A_93 = vector.broadcast %broadcast_in_dim3A_92 : f32 to vector<8x512xf32>
      %swap3A_94 = arith.constant 0 : index
      %swap3A_95 = arith.constant 0 : index
      %swap3A_96 = vector.load %arg13[%swap3A_94, %swap3A_95] : memref<8x512xf32, #tpu.memory_space<vmem>>, vector<8x512xf32>
      tpu.vector_store %arg13[%swap3A_94, %swap3A_95], %broadcast_in_dim3A_93 {strides = array<i32>} : memref<8x512xf32, #tpu.memory_space<vmem>>, vector<8x512xf32>,
    } else {
    }
    %get3A_78 = arith.constant 0 : index
    %get3A_79 = arith.constant 0 : index
    %get3A_80 = vector.load %arg13[%get3A_78, %get3A_79] : memref<8x512xf32, #tpu.memory_space<vmem>>, vector<1x512xf32>
    %add3A_81 = arith.addf %get3A_80, %broadcast_in_dim3A_70 : vector<1x512xf32>
    %swap3A_82 = arith.constant 0 : index
    %swap3A_83 = arith.constant 0 : index
    %swap3A_84 = vector.load %arg13[%swap3A_82, %swap3A_83] : memref<8x512xf32, #tpu.memory_space<vmem>>, vector<1x512xf32>
    tpu.vector_store %arg13[%swap3A_82, %swap3A_83], %add3A_81 {strides = array<i32>} : memref<8x512xf32, #tpu.memory_space<vmem>>, vector<1x512xf32>,
    %get3A_85 = arith.constant 1 : index
    %get3A_86 = arith.constant 0 : index
    %get3A_87 = vector.load %arg13[%get3A_85, %get3A_86] : memref<8x512xf32, #tpu.memory_space<vmem>>, vector<1x512xf32>
    %add3A_88 = arith.addf %get3A_87, %broadcast_in_dim3A_74 : vector<1x512xf32>
    %swap3A_89 = arith.constant 1 : index
    %swap3A_90 = arith.constant 0 : index
    %swap3A_91 = vector.load %arg13[%swap3A_89, %swap3A_90] : memref<8x512xf32, #tpu.memory_space<vmem>>, vector<1x512xf32>
    tpu.vector_store %arg13[%swap3A_89, %swap3A_90], %add3A_88 {strides = array<i32>} : memref<8x512xf32, #tpu.memory_space<vmem>>, vector<1x512xf32>,
    return
  }
  func.func @transform_0(%arg0: i32) -> (i32, i32) {
    %c0_i32 = arith.constant 0 : i32
    %c0_i32_0 = arith.constant 0 : i32
    return %arg0, %c0_i32 : i32, i32
  }
  func.func @transform_1(%arg0: i32) -> (i32, i32) {
    %c0_i32 = arith.constant 0 : i32
    %c0_i32_0 = arith.constant 0 : i32
    %c0_i32_1 = arith.constant 0 : i32
    return %c0_i32, %c0_i32_0 : i32, i32
  }
  func.func @transform_2(%arg0: i32) -> (i32, i32) {
    %c0_i32 = arith.constant 0 : i32
    %c0_i32_0 = arith.constant 0 : i32
    %c0_i32_1 = arith.constant 0 : i32
    return %c0_i32, %c0_i32_0 : i32, i32
  }
  func.func @transform_3(%arg0: i32) -> (i32, i32) {
    %c0_i32 = arith.constant 0 : i32
    %c0_i32_0 = arith.constant 0 : i32
    %c0_i32_1 = arith.constant 0 : i32
    return %c0_i32, %c0_i32_0 : i32, i32
  }
  func.func @transform_4(%arg0: i32) -> (i32, i32) {
    %c0_i32 = arith.constant 0 : i32
    %c0_i32_0 = arith.constant 0 : i32
    %c0_i32_1 = arith.constant 0 : i32
    return %c0_i32, %c0_i32_0 : i32, i32
  }
  func.func @transform_5(%arg0: i32) -> (i32, i32) {
    %c0_i32 = arith.constant 0 : i32
    %c0_i32_0 = arith.constant 0 : i32
    %c0_i32_1 = arith.constant 0 : i32
    return %c0_i32, %c0_i32_0 : i32, i32
  }
  func.func @transform_6(%arg0: i32) -> (i32, i32) {
    %c0_i32 = arith.constant 0 : i32
    %c0_i32_0 = arith.constant 0 : i32
    %c0_i32_1 = arith.constant 0 : i32
    return %c0_i32, %c0_i32_0 : i32, i32
  }
  func.func @transform_7(%arg0: i32) -> (i32, i32) {
    %c0_i32 = arith.constant 0 : i32
    %c0_i32_0 = arith.constant 0 : i32
    %c0_i32_1 = arith.constant 0 : i32
    return %c0_i32, %c0_i32_0 : i32, i32
  }
  func.func @transform_8(%arg0: i32) -> (i32, i32) {
    %c0_i32 = arith.constant 0 : i32
    %c0_i32_0 = arith.constant 0 : i32
    %c0_i32_1 = arith.constant 0 : i32
    return %c0_i32, %c0_i32_0 : i32, i32
  }
  func.func @transform_9(%arg0: i32) -> (i32, i32) {
    %c0_i32 = arith.constant 0 : i32
    %c0_i32_0 = arith.constant 0 : i32
    %c0_i32_1 = arith.constant 0 : i32
    return %c0_i32, %c0_i32_0 : i32, i32
  }
  func.func @transform_10(%arg0: i32) -> (i32, i32) {
    %c0_i32 = arith.constant 0 : i32
    %c0_i32_0 = arith.constant 0 : i32
    %c0_i32_1 = arith.constant 0 : i32
    return %c0_i32, %c0_i32_0 : i32, i32
  }
  func.func @transform_11(%arg0: i32) -> (i32, i32) {
    %c0_i32 = arith.constant 0 : i32
    %c0_i32_0 = arith.constant 0 : i32
    return %arg0, %c0_i32 : i32, i32
  }
  func.func @transform_12(%arg0: i32) -> (i32, i32) {
    %c0_i32 = arith.constant 0 : i32
    %c0_i32_0 = arith.constant 0 : i32
    %c0_i32_1 = arith.constant 0 : i32
    return %c0_i32, %c0_i32_0 : i32, i32
  }
}

module attributes {stable_mosaic.version = 14 : i64} {
  func.func @_encc_body(%arg0: i32, %arg1: memref<4096x512xbf16, #tpu.memory_space<vmem>>, %arg2: memref<8x512xf32, #tpu.memory_space<vmem>>, %arg3: memref<1x512xf32, #tpu.memory_space<vmem>>, %arg4: memref<1x512xf32, #tpu.memory_space<vmem>>, %arg5: memref<512x256xf32, #tpu.memory_space<vmem>>, %arg6: memref<1x256xf32, #tpu.memory_space<vmem>>, %arg7: memref<128x256xf32, #tpu.memory_space<vmem>>) attributes {dimension_semantics = [#tpu.dimension_semantics<arbitrary>], iteration_bounds = array<i64: 16>, scalar_prefetch = 0 : i64, scratch_operands = 0 : i64, tpu.core_type = #tpu.core_type<tc>, window_params = [{transform_indices = @transform_0, window_bounds = array<i64: 4096, 512>}, {pipeline_mode = #tpu.pipeline_mode<synchronous>, transform_indices = @transform_1, window_bounds = array<i64: 8, 512>}, {pipeline_mode = #tpu.pipeline_mode<synchronous>, transform_indices = @transform_2, window_bounds = array<i64: 1, 512>}, {pipeline_mode = #tpu.pipeline_mode<synchronous>, transform_indices = @transform_3, window_bounds = array<i64: 1, 512>}, {pipeline_mode = #tpu.pipeline_mode<synchronous>, transform_indices = @transform_4, window_bounds = array<i64: 512, 256>}, {pipeline_mode = #tpu.pipeline_mode<synchronous>, transform_indices = @transform_5, window_bounds = array<i64: 1, 256>}, {transform_indices = @transform_6, window_bounds = array<i64: 128, 256>}]} {
    %get3A = arith.constant 0 : index
    %get3A_0 = arith.constant 0 : index
    %get3A_1 = vector.load %arg1[%get3A, %get3A_0] : memref<4096x512xbf16, #tpu.memory_space<vmem>>, vector<4096x512xbf16>
    %convert_element_type3A = arith.extf %get3A_1 : vector<4096x512xbf16> to vector<4096x512xf32>
    %get3A_2 = arith.constant 0 : index
    %get3A_3 = arith.constant 0 : index
    %get3A_4 = vector.load %arg2[%get3A_2, %get3A_3] : memref<8x512xf32, #tpu.memory_space<vmem>>, vector<8x512xf32>
    %get3A_5 = arith.constant 0 : index
    %get3A_6 = arith.constant 0 : index
    %get3A_7 = vector.load %arg3[%get3A_5, %get3A_6] : memref<1x512xf32, #tpu.memory_space<vmem>>, vector<1x512xf32>
    %get3A_8 = arith.constant 0 : index
    %get3A_9 = arith.constant 0 : index
    %get3A_10 = vector.load %arg4[%get3A_8, %get3A_9] : memref<1x512xf32, #tpu.memory_space<vmem>>, vector<1x512xf32>
    %slice3A = vector.extract_strided_slice %get3A_4 {offsets = [0, 0], sizes = [1, 512], strides = [1, 1]} : vector<8x512xf32> to vector<1x512xf32>
    %div3A = arith.constant 6.553600e+04 : f32
    %div3A_11 = vector.broadcast %div3A : f32 to vector<1x512xf32>
    %div3A_12 = arith.divf %slice3A, %div3A_11 : vector<1x512xf32>
    %slice3A_13 = vector.extract_strided_slice %get3A_4 {offsets = [1, 0], sizes = [1, 512], strides = [1, 1]} : vector<8x512xf32> to vector<1x512xf32>
    %div3A_14 = arith.constant 6.553600e+04 : f32
    %div3A_15 = vector.broadcast %div3A_14 : f32 to vector<1x512xf32>
    %div3A_16 = arith.divf %slice3A_13, %div3A_15 : vector<1x512xf32>
    %mul3A = arith.mulf %div3A_12, %div3A_12 : vector<1x512xf32>
    %sub3A = arith.subf %div3A_16, %mul3A : vector<1x512xf32>
    %sub3A_17 = vector.broadcast %div3A_12 : vector<1x512xf32> to vector<4096x512xf32>
    %sub3A_18 = arith.subf %convert_element_type3A, %sub3A_17 : vector<4096x512xf32>
    %add3A = arith.constant 9.99999974E-6 : f32
    %add3A_19 = vector.broadcast %add3A : f32 to vector<1x512xf32>
    %add3A_20 = arith.addf %sub3A, %add3A_19 : vector<1x512xf32>
    %sqrt3A = math.sqrt %add3A_20 : vector<1x512xf32>
    %div3A_21 = arith.divf %get3A_7, %sqrt3A : vector<1x512xf32>
    %mul3A_22 = vector.broadcast %div3A_21 : vector<1x512xf32> to vector<4096x512xf32>
    %mul3A_23 = arith.mulf %sub3A_18, %mul3A_22 : vector<4096x512xf32>
    %add3A_24 = vector.broadcast %get3A_10 : vector<1x512xf32> to vector<4096x512xf32>
    %add3A_25 = arith.addf %mul3A_23, %add3A_24 : vector<4096x512xf32>
    %max3A = arith.constant 0.000000e+00 : f32
    %max3A_26 = vector.broadcast %max3A : f32 to vector<4096x512xf32>
    %max3A_27 = arith.maximumf %add3A_25, %max3A_26 : vector<4096x512xf32>
    %get3A_28 = arith.constant 0 : index
    %get3A_29 = arith.constant 0 : index
    %get3A_30 = vector.load %arg5[%get3A_28, %get3A_29] : memref<512x256xf32, #tpu.memory_space<vmem>>, vector<512x256xf32>
    %dot_general3A = arith.constant dense<0.000000e+00> : vector<4096x256xf32>
    %dot_general3A_31 = tpu.matmul %max3A_27, %get3A_30, %dot_general3A {dimension_numbers = #tpu.dot_dimension_numbers<[1], [0], [0], [1], [0, 0, 1, 1], [], []>, transpose_lhs_hint = false} : vector<4096x512xf32>, vector<512x256xf32>, vector<4096x256xf32> -> vector<4096x256xf32>
    %get3A_32 = arith.constant 0 : index
    %get3A_33 = arith.constant 0 : index
    %get3A_34 = vector.load %arg6[%get3A_32, %get3A_33] : memref<1x256xf32, #tpu.memory_space<vmem>>, vector<1x256xf32>
    %add3A_35 = vector.broadcast %get3A_34 : vector<1x256xf32> to vector<4096x256xf32>
    %add3A_36 = arith.addf %dot_general3A_31, %add3A_35 : vector<4096x256xf32>
    %reshape3A = vector.shape_cast %add3A_36 : vector<4096x256xf32> to vector<32x128x256xf32>
    %reduce_max3A = arith.constant dense<0xFF800000> : vector<128x256xf32>
    %reduce_max3A_37 = vector.multi_reduction <maximumf>, %reshape3A, %reduce_max3A [0] : vector<32x128x256xf32> to vector<128x256xf32>
    %swap3A = arith.constant 0 : index
    %swap3A_38 = arith.constant 0 : index
    %swap3A_39 = vector.load %arg7[%swap3A, %swap3A_38] : memref<128x256xf32, #tpu.memory_space<vmem>>, vector<128x256xf32>
    tpu.vector_store %arg7[%swap3A, %swap3A_38], %reduce_max3A_37 {strides = array<i32>} : memref<128x256xf32, #tpu.memory_space<vmem>>, vector<128x256xf32>,
    return
  }
  func.func @transform_0(%arg0: i32) -> (i32, i32) {
    %c0_i32 = arith.constant 0 : i32
    %c0_i32_0 = arith.constant 0 : i32
    return %arg0, %c0_i32 : i32, i32
  }
  func.func @transform_1(%arg0: i32) -> (i32, i32) {
    %c0_i32 = arith.constant 0 : i32
    %c0_i32_0 = arith.constant 0 : i32
    %c0_i32_1 = arith.constant 0 : i32
    return %c0_i32, %c0_i32_0 : i32, i32
  }
  func.func @transform_2(%arg0: i32) -> (i32, i32) {
    %c0_i32 = arith.constant 0 : i32
    %c0_i32_0 = arith.constant 0 : i32
    %c0_i32_1 = arith.constant 0 : i32
    return %c0_i32, %c0_i32_0 : i32, i32
  }
  func.func @transform_3(%arg0: i32) -> (i32, i32) {
    %c0_i32 = arith.constant 0 : i32
    %c0_i32_0 = arith.constant 0 : i32
    %c0_i32_1 = arith.constant 0 : i32
    return %c0_i32, %c0_i32_0 : i32, i32
  }
  func.func @transform_4(%arg0: i32) -> (i32, i32) {
    %c0_i32 = arith.constant 0 : i32
    %c0_i32_0 = arith.constant 0 : i32
    %c0_i32_1 = arith.constant 0 : i32
    return %c0_i32, %c0_i32_0 : i32, i32
  }
  func.func @transform_5(%arg0: i32) -> (i32, i32) {
    %c0_i32 = arith.constant 0 : i32
    %c0_i32_0 = arith.constant 0 : i32
    %c0_i32_1 = arith.constant 0 : i32
    return %c0_i32, %c0_i32_0 : i32, i32
  }
  func.func @transform_6(%arg0: i32) -> (i32, i32) {
    %c0_i32 = arith.constant 0 : i32
    %c0_i32_0 = arith.constant 0 : i32
    return %arg0, %c0_i32 : i32, i32
  }
}

module attributes {stable_mosaic.version = 14 : i64} {
  func.func @_vq_body(%arg0: i32, %arg1: memref<2048x256xf32, #tpu.memory_space<vmem>>, %arg2: memref<2048x256xf32, #tpu.memory_space<vmem>>, %arg3: memref<2048x1xi32, #tpu.memory_space<vmem>>, %arg4: memref<2048x1xi32, #tpu.memory_space<vmem>>) attributes {dimension_semantics = [#tpu.dimension_semantics<arbitrary>], iteration_bounds = array<i64: 4>, scalar_prefetch = 0 : i64, scratch_operands = 0 : i64, tpu.core_type = #tpu.core_type<tc>, window_params = [{pipeline_mode = #tpu.pipeline_mode<synchronous>, transform_indices = @transform_0, window_bounds = array<i64: 2048, 256>}, {transform_indices = @transform_1, window_bounds = array<i64: 2048, 256>}, {pipeline_mode = #tpu.pipeline_mode<synchronous>, transform_indices = @transform_2, window_bounds = array<i64: 2048, 1>}, {pipeline_mode = #tpu.pipeline_mode<synchronous>, transform_indices = @transform_3, window_bounds = array<i64: 2048, 1>}]} {
    %get3A = arith.constant 0 : index
    %get3A_0 = arith.constant 0 : index
    %get3A_1 = vector.load %arg1[%get3A, %get3A_0] : memref<2048x256xf32, #tpu.memory_space<vmem>>, vector<2048x256xf32>
    %get3A_2 = arith.constant 0 : index
    %get3A_3 = arith.constant 0 : index
    %get3A_4 = vector.load %arg2[%get3A_2, %get3A_3] : memref<2048x256xf32, #tpu.memory_space<vmem>>, vector<2048x256xf32>
    %mul3A = arith.mulf %get3A_1, %get3A_1 : vector<2048x256xf32>
    %reduce_sum3A = arith.constant dense<0.000000e+00> : vector<2048xf32>
    %reduce_sum3A_5 = vector.multi_reduction <add>, %mul3A, %reduce_sum3A [1] : vector<2048x256xf32> to vector<2048xf32>
    %broadcast_in_dim3A = vector.shape_cast %reduce_sum3A_5 : vector<2048xf32> to vector<2048x1xf32>
    %mul3A_6 = arith.mulf %get3A_4, %get3A_4 : vector<2048x256xf32>
    %reduce_sum3A_7 = arith.constant dense<0.000000e+00> : vector<2048xf32>
    %reduce_sum3A_8 = vector.multi_reduction <add>, %mul3A_6, %reduce_sum3A_7 [1] : vector<2048x256xf32> to vector<2048xf32>
    %broadcast_in_dim3A_9 = vector.shape_cast %reduce_sum3A_8 : vector<2048xf32> to vector<2048x1xf32>
    %transpose3A = tpu.transpose %broadcast_in_dim3A_9, [1, 0] : vector<2048x1xf32> -> vector<1x2048xf32>
    %add3A = vector.broadcast %broadcast_in_dim3A : vector<2048x1xf32> to vector<2048x2048xf32>
    %add3A_10 = vector.broadcast %transpose3A : vector<1x2048xf32> to vector<2048x2048xf32>
    %add3A_11 = arith.addf %add3A, %add3A_10 : vector<2048x2048xf32>
    %dot_general3A = arith.constant dense<0.000000e+00> : vector<2048x2048xf32>
    %dot_general3A_12 = tpu.matmul %get3A_1, %get3A_4, %dot_general3A {dimension_numbers = #tpu.dot_dimension_numbers<[1], [1], [0], [0], [0, 0, 1, 0], [], []>, transpose_lhs_hint = false} : vector<2048x256xf32>, vector<2048x256xf32>, vector<2048x2048xf32> -> vector<2048x2048xf32>
    %mul3A_13 = arith.constant 2.000000e+00 : f32
    %mul3A_14 = vector.broadcast %mul3A_13 : f32 to vector<2048x2048xf32>
    %mul3A_15 = arith.mulf %mul3A_14, %dot_general3A_12 : vector<2048x2048xf32>
    %sub3A = arith.subf %add3A_11, %mul3A_15 : vector<2048x2048xf32>
    %max3A = arith.constant 0.000000e+00 : f32
    %max3A_16 = vector.broadcast %max3A : f32 to vector<2048x2048xf32>
    %max3A_17 = arith.maximumf %sub3A, %max3A_16 : vector<2048x2048xf32>
    %iota3A = tpu.iota {dimensions = array<i32: 1>} : vector<2048x2048xi32>
    %bitcast_convert_type3A = tpu.bitcast %max3A_17 : vector<2048x2048xf32> -> vector<2048x2048xi32>
    %and3A = arith.constant -2048 : i32
    %and3A_18 = vector.broadcast %and3A : i32 to vector<2048x2048xi32>
    %and3A_19 = arith.andi %bitcast_convert_type3A, %and3A_18 : vector<2048x2048xi32>
    %or3A = arith.ori %and3A_19, %iota3A : vector<2048x2048xi32>
    %reduce_min3A = arith.constant dense<2147483647> : vector<2048xi32>
    %reduce_min3A_20 = vector.multi_reduction <minsi>, %or3A, %reduce_min3A [1] : vector<2048x2048xi32> to vector<2048xi32>
    %broadcast_in_dim3A_21 = vector.shape_cast %reduce_min3A_20 : vector<2048xi32> to vector<2048x1xi32>
    %mul3A_22 = arith.constant 2048 : i32
    %mul3A_23 = arith.muli %arg0, %mul3A_22 : i32
    %and3A_24 = arith.constant 2047 : i32
    %and3A_25 = vector.broadcast %and3A_24 : i32 to vector<2048x1xi32>
    %and3A_26 = arith.andi %broadcast_in_dim3A_21, %and3A_25 : vector<2048x1xi32>
    %add3A_27 = vector.broadcast %mul3A_23 : i32 to vector<2048x1xi32>
    %add3A_28 = arith.addi %add3A_27, %and3A_26 : vector<2048x1xi32>
    %eq3A = arith.constant 0 : i32
    %eq3A_29 = arith.cmpi eq, %arg0, %eq3A : i32
    %get3A_30 = arith.constant 0 : index
    %get3A_31 = arith.constant 0 : index
    %get3A_32 = vector.load %arg4[%get3A_30, %get3A_31] : memref<2048x1xi32, #tpu.memory_space<vmem>>, vector<2048x1xi32>
    %lt3A = arith.cmpi slt, %broadcast_in_dim3A_21, %get3A_32 : vector<2048x1xi32>
    %or3A_33 = vector.broadcast %eq3A_29 : i1 to vector<2048x1xi1>
    %or3A_34 = arith.ori %or3A_33, %lt3A : vector<2048x1xi1>
    %get3A_35 = arith.constant 0 : index
    %get3A_36 = arith.constant 0 : index
    %get3A_37 = vector.load %arg4[%get3A_35, %get3A_36] : memref<2048x1xi32, #tpu.memory_space<vmem>>, vector<2048x1xi32>
    %select_n3A = arith.select %or3A_34, %broadcast_in_dim3A_21, %get3A_37 : vector<2048x1xi1>, vector<2048x1xi32>
    %swap3A = arith.constant 0 : index
    %swap3A_38 = arith.constant 0 : index
    %swap3A_39 = vector.load %arg4[%swap3A, %swap3A_38] : memref<2048x1xi32, #tpu.memory_space<vmem>>, vector<2048x1xi32>
    tpu.vector_store %arg4[%swap3A, %swap3A_38], %select_n3A {strides = array<i32>} : memref<2048x1xi32, #tpu.memory_space<vmem>>, vector<2048x1xi32>,
    %get3A_40 = arith.constant 0 : index
    %get3A_41 = arith.constant 0 : index
    %get3A_42 = vector.load %arg3[%get3A_40, %get3A_41] : memref<2048x1xi32, #tpu.memory_space<vmem>>, vector<2048x1xi32>
    %select_n3A_43 = arith.select %or3A_34, %add3A_28, %get3A_42 : vector<2048x1xi1>, vector<2048x1xi32>
    %swap3A_44 = arith.constant 0 : index
    %swap3A_45 = arith.constant 0 : index
    %swap3A_46 = vector.load %arg3[%swap3A_44, %swap3A_45] : memref<2048x1xi32, #tpu.memory_space<vmem>>, vector<2048x1xi32>
    tpu.vector_store %arg3[%swap3A_44, %swap3A_45], %select_n3A_43 {strides = array<i32>} : memref<2048x1xi32, #tpu.memory_space<vmem>>, vector<2048x1xi32>,
    return
  }
  func.func @transform_0(%arg0: i32) -> (i32, i32) {
    %c0_i32 = arith.constant 0 : i32
    %c0_i32_0 = arith.constant 0 : i32
    %c0_i32_1 = arith.constant 0 : i32
    return %c0_i32, %c0_i32_0 : i32, i32
  }
  func.func @transform_1(%arg0: i32) -> (i32, i32) {
    %c0_i32 = arith.constant 0 : i32
    %c0_i32_0 = arith.constant 0 : i32
    return %arg0, %c0_i32 : i32, i32
  }
  func.func @transform_2(%arg0: i32) -> (i32, i32) {
    %c0_i32 = arith.constant 0 : i32
    %c0_i32_0 = arith.constant 0 : i32
    %c0_i32_1 = arith.constant 0 : i32
    return %c0_i32, %c0_i32_0 : i32, i32
  }
  func.func @transform_3(%arg0: i32) -> (i32, i32) {
    %c0_i32 = arith.constant 0 : i32
    %c0_i32_0 = arith.constant 0 : i32
    %c0_i32_1 = arith.constant 0 : i32
    return %c0_i32, %c0_i32_0 : i32, i32
  }
}

module attributes {stable_mosaic.version = 14 : i64} {
  func.func @_dec_body(%arg0: i32, %arg1: memref<128x256xf32, #tpu.memory_space<vmem>>, %arg2: memref<96x128xf32, #tpu.memory_space<vmem>>, %arg3: memref<256x512xf32, #tpu.memory_space<vmem>>, %arg4: memref<1x512xf32, #tpu.memory_space<vmem>>, %arg5: memref<512x256xf32, #tpu.memory_space<vmem>>, %arg6: memref<1x256xf32, #tpu.memory_space<vmem>>, %arg7: memref<96x256xf32, #tpu.memory_space<vmem>>, %arg8: memref<96x1xf32, #tpu.memory_space<vmem>>, %arg9: memref<1x1xf32, #tpu.memory_space<vmem>>) attributes {dimension_semantics = [#tpu.dimension_semantics<arbitrary>], iteration_bounds = array<i64: 16>, scalar_prefetch = 0 : i64, scratch_operands = 0 : i64, tpu.core_type = #tpu.core_type<tc>, window_params = [{transform_indices = @transform_0, window_bounds = array<i64: 128, 256>}, {transform_indices = @transform_1, window_bounds = array<i64: 96, 128>}, {pipeline_mode = #tpu.pipeline_mode<synchronous>, transform_indices = @transform_2, window_bounds = array<i64: 256, 512>}, {pipeline_mode = #tpu.pipeline_mode<synchronous>, transform_indices = @transform_3, window_bounds = array<i64: 1, 512>}, {pipeline_mode = #tpu.pipeline_mode<synchronous>, transform_indices = @transform_4, window_bounds = array<i64: 512, 256>}, {pipeline_mode = #tpu.pipeline_mode<synchronous>, transform_indices = @transform_5, window_bounds = array<i64: 1, 256>}, {pipeline_mode = #tpu.pipeline_mode<synchronous>, transform_indices = @transform_6, window_bounds = array<i64: 96, 256>}, {pipeline_mode = #tpu.pipeline_mode<synchronous>, transform_indices = @transform_7, window_bounds = array<i64: 96, 1>}, {pipeline_mode = #tpu.pipeline_mode<synchronous>, transform_indices = @transform_8, window_bounds = array<i64: 1, 1>}]} {
    %get3A = arith.constant 0 : index
    %get3A_0 = arith.constant 0 : index
    %get3A_1 = vector.load %arg1[%get3A, %get3A_0] : memref<128x256xf32, #tpu.memory_space<vmem>>, vector<128x256xf32>
    %get3A_2 = arith.constant 0 : index
    %get3A_3 = arith.constant 0 : index
    %get3A_4 = vector.load %arg3[%get3A_2, %get3A_3] : memref<256x512xf32, #tpu.memory_space<vmem>>, vector<256x512xf32>
    %dot_general3A = arith.constant dense<0.000000e+00> : vector<128x512xf32>
    %dot_general3A_5 = tpu.matmul %get3A_1, %get3A_4, %dot_general3A {dimension_numbers = #tpu.dot_dimension_numbers<[1], [0], [0], [1], [0, 0, 1, 1], [], []>, transpose_lhs_hint = false} : vector<128x256xf32>, vector<256x512xf32>, vector<128x512xf32> -> vector<128x512xf32>
    %get3A_6 = arith.constant 0 : index
    %get3A_7 = arith.constant 0 : index
    %get3A_8 = vector.load %arg4[%get3A_6, %get3A_7] : memref<1x512xf32, #tpu.memory_space<vmem>>, vector<1x512xf32>
    %add3A = vector.broadcast %get3A_8 : vector<1x512xf32> to vector<128x512xf32>
    %add3A_9 = arith.addf %dot_general3A_5, %add3A : vector<128x512xf32>
    %max3A = arith.constant 0.000000e+00 : f32
    %max3A_10 = vector.broadcast %max3A : f32 to vector<128x512xf32>
    %max3A_11 = arith.maximumf %add3A_9, %max3A_10 : vector<128x512xf32>
    %get3A_12 = arith.constant 0 : index
    %get3A_13 = arith.constant 0 : index
    %get3A_14 = vector.load %arg5[%get3A_12, %get3A_13] : memref<512x256xf32, #tpu.memory_space<vmem>>, vector<512x256xf32>
    %dot_general3A_15 = arith.constant dense<0.000000e+00> : vector<128x256xf32>
    %dot_general3A_16 = tpu.matmul %max3A_11, %get3A_14, %dot_general3A_15 {dimension_numbers = #tpu.dot_dimension_numbers<[1], [0], [0], [1], [0, 0, 1, 1], [], []>, transpose_lhs_hint = false} : vector<128x512xf32>, vector<512x256xf32>, vector<128x256xf32> -> vector<128x256xf32>
    %get3A_17 = arith.constant 0 : index
    %get3A_18 = arith.constant 0 : index
    %get3A_19 = vector.load %arg6[%get3A_17, %get3A_18] : memref<1x256xf32, #tpu.memory_space<vmem>>, vector<1x256xf32>
    %add3A_20 = vector.broadcast %get3A_19 : vector<1x256xf32> to vector<128x256xf32>
    %add3A_21 = arith.addf %dot_general3A_16, %add3A_20 : vector<128x256xf32>
    %max3A_22 = arith.constant 0.000000e+00 : f32
    %max3A_23 = vector.broadcast %max3A_22 : f32 to vector<128x256xf32>
    %max3A_24 = arith.maximumf %add3A_21, %max3A_23 : vector<128x256xf32>
    %get3A_25 = arith.constant 0 : index
    %get3A_26 = arith.constant 0 : index
    %get3A_27 = vector.load %arg7[%get3A_25, %get3A_26] : memref<96x256xf32, #tpu.memory_space<vmem>>, vector<96x256xf32>
    %dot_general3A_28 = arith.constant dense<0.000000e+00> : vector<96x128xf32>
    %dot_general3A_29 = tpu.matmul %get3A_27, %max3A_24, %dot_general3A_28 {dimension_numbers = #tpu.dot_dimension_numbers<[1], [1], [0], [0], [0, 0, 1, 0], [], []>, transpose_lhs_hint = false} : vector<96x256xf32>, vector<128x256xf32>, vector<96x128xf32> -> vector<96x128xf32>
    %get3A_30 = arith.constant 0 : index
    %get3A_31 = arith.constant 0 : index
    %get3A_32 = vector.load %arg8[%get3A_30, %get3A_31] : memref<96x1xf32, #tpu.memory_space<vmem>>, vector<96x1xf32>
    %add3A_33 = vector.broadcast %get3A_32 : vector<96x1xf32> to vector<96x128xf32>
    %add3A_34 = arith.addf %dot_general3A_29, %add3A_33 : vector<96x128xf32>
    %slice3A = vector.extract_strided_slice %add3A_34 {offsets = [0, 0], sizes = [32, 128], strides = [1, 1]} : vector<96x128xf32> to vector<32x128xf32>
    %slice3A_35 = vector.extract_strided_slice %add3A_34 {offsets = [32, 0], sizes = [32, 128], strides = [1, 1]} : vector<96x128xf32> to vector<32x128xf32>
    %slice3A_36 = vector.extract_strided_slice %add3A_34 {offsets = [64, 0], sizes = [32, 128], strides = [1, 1]} : vector<96x128xf32> to vector<32x128xf32>
    %get3A_37 = arith.constant 0 : index
    %get3A_38 = arith.constant 0 : index
    %get3A_39 = vector.load %arg2[%get3A_37, %get3A_38] : memref<96x128xf32, #tpu.memory_space<vmem>>, vector<96x128xf32>
    %slice3A_40 = vector.extract_strided_slice %get3A_39 {offsets = [0, 0], sizes = [32, 128], strides = [1, 1]} : vector<96x128xf32> to vector<32x128xf32>
    %slice3A_41 = vector.extract_strided_slice %get3A_39 {offsets = [32, 0], sizes = [32, 128], strides = [1, 1]} : vector<96x128xf32> to vector<32x128xf32>
    %slice3A_42 = vector.extract_strided_slice %get3A_39 {offsets = [64, 0], sizes = [32, 128], strides = [1, 1]} : vector<96x128xf32> to vector<32x128xf32>
    %broadcast_in_dim3A = arith.constant 0x7F800000 : f32
    %broadcast_in_dim3A_43 = vector.broadcast %broadcast_in_dim3A : f32 to vector<32x128xf32>
    %broadcast_in_dim3A_44 = arith.constant 0.000000e+00 : f32
    %broadcast_in_dim3A_45 = vector.broadcast %broadcast_in_dim3A_44 : f32 to vector<1x128xf32>
    %slice3A_46 = vector.extract_strided_slice %slice3A_40 {offsets = [0, 0], sizes = [1, 128], strides = [1, 1]} : vector<32x128xf32> to vector<1x128xf32>
    %sub3A = vector.broadcast %slice3A_46 : vector<1x128xf32> to vector<32x128xf32>
    %sub3A_47 = arith.subf %slice3A, %sub3A : vector<32x128xf32>
    %integer_pow3A = arith.mulf %sub3A_47, %sub3A_47 : vector<32x128xf32>
    %slice3A_48 = vector.extract_strided_slice %slice3A_41 {offsets = [0, 0], sizes = [1, 128], strides = [1, 1]} : vector<32x128xf32> to vector<1x128xf32>
    %sub3A_49 = vector.broadcast %slice3A_48 : vector<1x128xf32> to vector<32x128xf32>
    %sub3A_50 = arith.subf %slice3A_35, %sub3A_49 : vector<32x128xf32>
    %integer_pow3A_51 = arith.mulf %sub3A_50, %sub3A_50 : vector<32x128xf32>
    %add3A_52 = arith.addf %integer_pow3A, %integer_pow3A_51 : vector<32x128xf32>
    %slice3A_53 = vector.extract_strided_slice %slice3A_42 {offsets = [0, 0], sizes = [1, 128], strides = [1, 1]} : vector<32x128xf32> to vector<1x128xf32>
    %sub3A_54 = vector.broadcast %slice3A_53 : vector<1x128xf32> to vector<32x128xf32>
    %sub3A_55 = arith.subf %slice3A_36, %sub3A_54 : vector<32x128xf32>
    %integer_pow3A_56 = arith.mulf %sub3A_55, %sub3A_55 : vector<32x128xf32>
    %add3A_57 = arith.addf %add3A_52, %integer_pow3A_56 : vector<32x128xf32>
    %min3A = arith.minimumf %broadcast_in_dim3A_43, %add3A_57 : vector<32x128xf32>
    %reduce_min3A = arith.constant dense<0x7F800000> : vector<128xf32>
    %reduce_min3A_58 = vector.multi_reduction <minimumf>, %add3A_57, %reduce_min3A [0] : vector<32x128xf32> to vector<128xf32>
    %broadcast_in_dim3A_59 = vector.shape_cast %reduce_min3A_58 : vector<128xf32> to vector<1x128xf32>
    %add3A_60 = arith.addf %broadcast_in_dim3A_45, %broadcast_in_dim3A_59 : vector<1x128xf32>
    %slice3A_61 = vector.extract_strided_slice %slice3A_40 {offsets = [1, 0], sizes = [1, 128], strides = [1, 1]} : vector<32x128xf32> to vector<1x128xf32>
    %sub3A_62 = vector.broadcast %slice3A_61 : vector<1x128xf32> to vector<32x128xf32>
    %sub3A_63 = arith.subf %slice3A, %sub3A_62 : vector<32x128xf32>
    %integer_pow3A_64 = arith.mulf %sub3A_63, %sub3A_63 : vector<32x128xf32>
    %slice3A_65 = vector.extract_strided_slice %slice3A_41 {offsets = [1, 0], sizes = [1, 128], strides = [1, 1]} : vector<32x128xf32> to vector<1x128xf32>
    %sub3A_66 = vector.broadcast %slice3A_65 : vector<1x128xf32> to vector<32x128xf32>
    %sub3A_67 = arith.subf %slice3A_35, %sub3A_66 : vector<32x128xf32>
    %integer_pow3A_68 = arith.mulf %sub3A_67, %sub3A_67 : vector<32x128xf32>
    %add3A_69 = arith.addf %integer_pow3A_64, %integer_pow3A_68 : vector<32x128xf32>
    %slice3A_70 = vector.extract_strided_slice %slice3A_42 {offsets = [1, 0], sizes = [1, 128], strides = [1, 1]} : vector<32x128xf32> to vector<1x128xf32>
    %sub3A_71 = vector.broadcast %slice3A_70 : vector<1x128xf32> to vector<32x128xf32>
    %sub3A_72 = arith.subf %slice3A_36, %sub3A_71 : vector<32x128xf32>
    %integer_pow3A_73 = arith.mulf %sub3A_72, %sub3A_72 : vector<32x128xf32>
    %add3A_74 = arith.addf %add3A_69, %integer_pow3A_73 : vector<32x128xf32>
    %min3A_75 = arith.minimumf %min3A, %add3A_74 : vector<32x128xf32>
    %reduce_min3A_76 = arith.constant dense<0x7F800000> : vector<128xf32>
    %reduce_min3A_77 = vector.multi_reduction <minimumf>, %add3A_74, %reduce_min3A_76 [0] : vector<32x128xf32> to vector<128xf32>
    %broadcast_in_dim3A_78 = vector.shape_cast %reduce_min3A_77 : vector<128xf32> to vector<1x128xf32>
    %add3A_79 = arith.addf %add3A_60, %broadcast_in_dim3A_78 : vector<1x128xf32>
    %slice3A_80 = vector.extract_strided_slice %slice3A_40 {offsets = [2, 0], sizes = [1, 128], strides = [1, 1]} : vector<32x128xf32> to vector<1x128xf32>
    %sub3A_81 = vector.broadcast %slice3A_80 : vector<1x128xf32> to vector<32x128xf32>
    %sub3A_82 = arith.subf %slice3A, %sub3A_81 : vector<32x128xf32>
    %integer_pow3A_83 = arith.mulf %sub3A_82, %sub3A_82 : vector<32x128xf32>
    %slice3A_84 = vector.extract_strided_slice %slice3A_41 {offsets = [2, 0], sizes = [1, 128], strides = [1, 1]} : vector<32x128xf32> to vector<1x128xf32>
    %sub3A_85 = vector.broadcast %slice3A_84 : vector<1x128xf32> to vector<32x128xf32>
    %sub3A_86 = arith.subf %slice3A_35, %sub3A_85 : vector<32x128xf32>
    %integer_pow3A_87 = arith.mulf %sub3A_86, %sub3A_86 : vector<32x128xf32>
    %add3A_88 = arith.addf %integer_pow3A_83, %integer_pow3A_87 : vector<32x128xf32>
    %slice3A_89 = vector.extract_strided_slice %slice3A_42 {offsets = [2, 0], sizes = [1, 128], strides = [1, 1]} : vector<32x128xf32> to vector<1x128xf32>
    %sub3A_90 = vector.broadcast %slice3A_89 : vector<1x128xf32> to vector<32x128xf32>
    %sub3A_91 = arith.subf %slice3A_36, %sub3A_90 : vector<32x128xf32>
    %integer_pow3A_92 = arith.mulf %sub3A_91, %sub3A_91 : vector<32x128xf32>
    %add3A_93 = arith.addf %add3A_88, %integer_pow3A_92 : vector<32x128xf32>
    %min3A_94 = arith.minimumf %min3A_75, %add3A_93 : vector<32x128xf32>
    %reduce_min3A_95 = arith.constant dense<0x7F800000> : vector<128xf32>
    %reduce_min3A_96 = vector.multi_reduction <minimumf>, %add3A_93, %reduce_min3A_95 [0] : vector<32x128xf32> to vector<128xf32>
    %broadcast_in_dim3A_97 = vector.shape_cast %reduce_min3A_96 : vector<128xf32> to vector<1x128xf32>
    %add3A_98 = arith.addf %add3A_79, %broadcast_in_dim3A_97 : vector<1x128xf32>
    %slice3A_99 = vector.extract_strided_slice %slice3A_40 {offsets = [3, 0], sizes = [1, 128], strides = [1, 1]} : vector<32x128xf32> to vector<1x128xf32>
    %sub3A_100 = vector.broadcast %slice3A_99 : vector<1x128xf32> to vector<32x128xf32>
    %sub3A_101 = arith.subf %slice3A, %sub3A_100 : vector<32x128xf32>
    %integer_pow3A_102 = arith.mulf %sub3A_101, %sub3A_101 : vector<32x128xf32>
    %slice3A_103 = vector.extract_strided_slice %slice3A_41 {offsets = [3, 0], sizes = [1, 128], strides = [1, 1]} : vector<32x128xf32> to vector<1x128xf32>
    %sub3A_104 = vector.broadcast %slice3A_103 : vector<1x128xf32> to vector<32x128xf32>
    %sub3A_105 = arith.subf %slice3A_35, %sub3A_104 : vector<32x128xf32>
    %integer_pow3A_106 = arith.mulf %sub3A_105, %sub3A_105 : vector<32x128xf32>
    %add3A_107 = arith.addf %integer_pow3A_102, %integer_pow3A_106 : vector<32x128xf32>
    %slice3A_108 = vector.extract_strided_slice %slice3A_42 {offsets = [3, 0], sizes = [1, 128], strides = [1, 1]} : vector<32x128xf32> to vector<1x128xf32>
    %sub3A_109 = vector.broadcast %slice3A_108 : vector<1x128xf32> to vector<32x128xf32>
    %sub3A_110 = arith.subf %slice3A_36, %sub3A_109 : vector<32x128xf32>
    %integer_pow3A_111 = arith.mulf %sub3A_110, %sub3A_110 : vector<32x128xf32>
    %add3A_112 = arith.addf %add3A_107, %integer_pow3A_111 : vector<32x128xf32>
    %min3A_113 = arith.minimumf %min3A_94, %add3A_112 : vector<32x128xf32>
    %reduce_min3A_114 = arith.constant dense<0x7F800000> : vector<128xf32>
    %reduce_min3A_115 = vector.multi_reduction <minimumf>, %add3A_112, %reduce_min3A_114 [0] : vector<32x128xf32> to vector<128xf32>
    %broadcast_in_dim3A_116 = vector.shape_cast %reduce_min3A_115 : vector<128xf32> to vector<1x128xf32>
    %add3A_117 = arith.addf %add3A_98, %broadcast_in_dim3A_116 : vector<1x128xf32>
    %slice3A_118 = vector.extract_strided_slice %slice3A_40 {offsets = [4, 0], sizes = [1, 128], strides = [1, 1]} : vector<32x128xf32> to vector<1x128xf32>
    %sub3A_119 = vector.broadcast %slice3A_118 : vector<1x128xf32> to vector<32x128xf32>
    %sub3A_120 = arith.subf %slice3A, %sub3A_119 : vector<32x128xf32>
    %integer_pow3A_121 = arith.mulf %sub3A_120, %sub3A_120 : vector<32x128xf32>
    %slice3A_122 = vector.extract_strided_slice %slice3A_41 {offsets = [4, 0], sizes = [1, 128], strides = [1, 1]} : vector<32x128xf32> to vector<1x128xf32>
    %sub3A_123 = vector.broadcast %slice3A_122 : vector<1x128xf32> to vector<32x128xf32>
    %sub3A_124 = arith.subf %slice3A_35, %sub3A_123 : vector<32x128xf32>
    %integer_pow3A_125 = arith.mulf %sub3A_124, %sub3A_124 : vector<32x128xf32>
    %add3A_126 = arith.addf %integer_pow3A_121, %integer_pow3A_125 : vector<32x128xf32>
    %slice3A_127 = vector.extract_strided_slice %slice3A_42 {offsets = [4, 0], sizes = [1, 128], strides = [1, 1]} : vector<32x128xf32> to vector<1x128xf32>
    %sub3A_128 = vector.broadcast %slice3A_127 : vector<1x128xf32> to vector<32x128xf32>
    %sub3A_129 = arith.subf %slice3A_36, %sub3A_128 : vector<32x128xf32>
    %integer_pow3A_130 = arith.mulf %sub3A_129, %sub3A_129 : vector<32x128xf32>
    %add3A_131 = arith.addf %add3A_126, %integer_pow3A_130 : vector<32x128xf32>
    %min3A_132 = arith.minimumf %min3A_113, %add3A_131 : vector<32x128xf32>
    %reduce_min3A_133 = arith.constant dense<0x7F800000> : vector<128xf32>
    %reduce_min3A_134 = vector.multi_reduction <minimumf>, %add3A_131, %reduce_min3A_133 [0] : vector<32x128xf32> to vector<128xf32>
    %broadcast_in_dim3A_135 = vector.shape_cast %reduce_min3A_134 : vector<128xf32> to vector<1x128xf32>
    %add3A_136 = arith.addf %add3A_117, %broadcast_in_dim3A_135 : vector<1x128xf32>
    %slice3A_137 = vector.extract_strided_slice %slice3A_40 {offsets = [5, 0], sizes = [1, 128], strides = [1, 1]} : vector<32x128xf32> to vector<1x128xf32>
    %sub3A_138 = vector.broadcast %slice3A_137 : vector<1x128xf32> to vector<32x128xf32>
    %sub3A_139 = arith.subf %slice3A, %sub3A_138 : vector<32x128xf32>
    %integer_pow3A_140 = arith.mulf %sub3A_139, %sub3A_139 : vector<32x128xf32>
    %slice3A_141 = vector.extract_strided_slice %slice3A_41 {offsets = [5, 0], sizes = [1, 128], strides = [1, 1]} : vector<32x128xf32> to vector<1x128xf32>
    %sub3A_142 = vector.broadcast %slice3A_141 : vector<1x128xf32> to vector<32x128xf32>
    %sub3A_143 = arith.subf %slice3A_35, %sub3A_142 : vector<32x128xf32>
    %integer_pow3A_144 = arith.mulf %sub3A_143, %sub3A_143 : vector<32x128xf32>
    %add3A_145 = arith.addf %integer_pow3A_140, %integer_pow3A_144 : vector<32x128xf32>
    %slice3A_146 = vector.extract_strided_slice %slice3A_42 {offsets = [5, 0], sizes = [1, 128], strides = [1, 1]} : vector<32x128xf32> to vector<1x128xf32>
    %sub3A_147 = vector.broadcast %slice3A_146 : vector<1x128xf32> to vector<32x128xf32>
    %sub3A_148 = arith.subf %slice3A_36, %sub3A_147 : vector<32x128xf32>
    %integer_pow3A_149 = arith.mulf %sub3A_148, %sub3A_148 : vector<32x128xf32>
    %add3A_150 = arith.addf %add3A_145, %integer_pow3A_149 : vector<32x128xf32>
    %min3A_151 = arith.minimumf %min3A_132, %add3A_150 : vector<32x128xf32>
    %reduce_min3A_152 = arith.constant dense<0x7F800000> : vector<128xf32>
    %reduce_min3A_153 = vector.multi_reduction <minimumf>, %add3A_150, %reduce_min3A_152 [0] : vector<32x128xf32> to vector<128xf32>
    %broadcast_in_dim3A_154 = vector.shape_cast %reduce_min3A_153 : vector<128xf32> to vector<1x128xf32>
    %add3A_155 = arith.addf %add3A_136, %broadcast_in_dim3A_154 : vector<1x128xf32>
    %slice3A_156 = vector.extract_strided_slice %slice3A_40 {offsets = [6, 0], sizes = [1, 128], strides = [1, 1]} : vector<32x128xf32> to vector<1x128xf32>
    %sub3A_157 = vector.broadcast %slice3A_156 : vector<1x128xf32> to vector<32x128xf32>
    %sub3A_158 = arith.subf %slice3A, %sub3A_157 : vector<32x128xf32>
    %integer_pow3A_159 = arith.mulf %sub3A_158, %sub3A_158 : vector<32x128xf32>
    %slice3A_160 = vector.extract_strided_slice %slice3A_41 {offsets = [6, 0], sizes = [1, 128], strides = [1, 1]} : vector<32x128xf32> to vector<1x128xf32>
    %sub3A_161 = vector.broadcast %slice3A_160 : vector<1x128xf32> to vector<32x128xf32>
    %sub3A_162 = arith.subf %slice3A_35, %sub3A_161 : vector<32x128xf32>
    %integer_pow3A_163 = arith.mulf %sub3A_162, %sub3A_162 : vector<32x128xf32>
    %add3A_164 = arith.addf %integer_pow3A_159, %integer_pow3A_163 : vector<32x128xf32>
    %slice3A_165 = vector.extract_strided_slice %slice3A_42 {offsets = [6, 0], sizes = [1, 128], strides = [1, 1]} : vector<32x128xf32> to vector<1x128xf32>
    %sub3A_166 = vector.broadcast %slice3A_165 : vector<1x128xf32> to vector<32x128xf32>
    %sub3A_167 = arith.subf %slice3A_36, %sub3A_166 : vector<32x128xf32>
    %integer_pow3A_168 = arith.mulf %sub3A_167, %sub3A_167 : vector<32x128xf32>
    %add3A_169 = arith.addf %add3A_164, %integer_pow3A_168 : vector<32x128xf32>
    %min3A_170 = arith.minimumf %min3A_151, %add3A_169 : vector<32x128xf32>
    %reduce_min3A_171 = arith.constant dense<0x7F800000> : vector<128xf32>
    %reduce_min3A_172 = vector.multi_reduction <minimumf>, %add3A_169, %reduce_min3A_171 [0] : vector<32x128xf32> to vector<128xf32>
    %broadcast_in_dim3A_173 = vector.shape_cast %reduce_min3A_172 : vector<128xf32> to vector<1x128xf32>
    %add3A_174 = arith.addf %add3A_155, %broadcast_in_dim3A_173 : vector<1x128xf32>
    %slice3A_175 = vector.extract_strided_slice %slice3A_40 {offsets = [7, 0], sizes = [1, 128], strides = [1, 1]} : vector<32x128xf32> to vector<1x128xf32>
    %sub3A_176 = vector.broadcast %slice3A_175 : vector<1x128xf32> to vector<32x128xf32>
    %sub3A_177 = arith.subf %slice3A, %sub3A_176 : vector<32x128xf32>
    %integer_pow3A_178 = arith.mulf %sub3A_177, %sub3A_177 : vector<32x128xf32>
    %slice3A_179 = vector.extract_strided_slice %slice3A_41 {offsets = [7, 0], sizes = [1, 128], strides = [1, 1]} : vector<32x128xf32> to vector<1x128xf32>
    %sub3A_180 = vector.broadcast %slice3A_179 : vector<1x128xf32> to vector<32x128xf32>
    %sub3A_181 = arith.subf %slice3A_35, %sub3A_180 : vector<32x128xf32>
    %integer_pow3A_182 = arith.mulf %sub3A_181, %sub3A_181 : vector<32x128xf32>
    %add3A_183 = arith.addf %integer_pow3A_178, %integer_pow3A_182 : vector<32x128xf32>
    %slice3A_184 = vector.extract_strided_slice %slice3A_42 {offsets = [7, 0], sizes = [1, 128], strides = [1, 1]} : vector<32x128xf32> to vector<1x128xf32>
    %sub3A_185 = vector.broadcast %slice3A_184 : vector<1x128xf32> to vector<32x128xf32>
    %sub3A_186 = arith.subf %slice3A_36, %sub3A_185 : vector<32x128xf32>
    %integer_pow3A_187 = arith.mulf %sub3A_186, %sub3A_186 : vector<32x128xf32>
    %add3A_188 = arith.addf %add3A_183, %integer_pow3A_187 : vector<32x128xf32>
    %min3A_189 = arith.minimumf %min3A_170, %add3A_188 : vector<32x128xf32>
    %reduce_min3A_190 = arith.constant dense<0x7F800000> : vector<128xf32>
    %reduce_min3A_191 = vector.multi_reduction <minimumf>, %add3A_188, %reduce_min3A_190 [0] : vector<32x128xf32> to vector<128xf32>
    %broadcast_in_dim3A_192 = vector.shape_cast %reduce_min3A_191 : vector<128xf32> to vector<1x128xf32>
    %add3A_193 = arith.addf %add3A_174, %broadcast_in_dim3A_192 : vector<1x128xf32>
    %slice3A_194 = vector.extract_strided_slice %slice3A_40 {offsets = [8, 0], sizes = [1, 128], strides = [1, 1]} : vector<32x128xf32> to vector<1x128xf32>
    %sub3A_195 = vector.broadcast %slice3A_194 : vector<1x128xf32> to vector<32x128xf32>
    %sub3A_196 = arith.subf %slice3A, %sub3A_195 : vector<32x128xf32>
    %integer_pow3A_197 = arith.mulf %sub3A_196, %sub3A_196 : vector<32x128xf32>
    %slice3A_198 = vector.extract_strided_slice %slice3A_41 {offsets = [8, 0], sizes = [1, 128], strides = [1, 1]} : vector<32x128xf32> to vector<1x128xf32>
    %sub3A_199 = vector.broadcast %slice3A_198 : vector<1x128xf32> to vector<32x128xf32>
    %sub3A_200 = arith.subf %slice3A_35, %sub3A_199 : vector<32x128xf32>
    %integer_pow3A_201 = arith.mulf %sub3A_200, %sub3A_200 : vector<32x128xf32>
    %add3A_202 = arith.addf %integer_pow3A_197, %integer_pow3A_201 : vector<32x128xf32>
    %slice3A_203 = vector.extract_strided_slice %slice3A_42 {offsets = [8, 0], sizes = [1, 128], strides = [1, 1]} : vector<32x128xf32> to vector<1x128xf32>
    %sub3A_204 = vector.broadcast %slice3A_203 : vector<1x128xf32> to vector<32x128xf32>
    %sub3A_205 = arith.subf %slice3A_36, %sub3A_204 : vector<32x128xf32>
    %integer_pow3A_206 = arith.mulf %sub3A_205, %sub3A_205 : vector<32x128xf32>
    %add3A_207 = arith.addf %add3A_202, %integer_pow3A_206 : vector<32x128xf32>
    %min3A_208 = arith.minimumf %min3A_189, %add3A_207 : vector<32x128xf32>
    %reduce_min3A_209 = arith.constant dense<0x7F800000> : vector<128xf32>
    %reduce_min3A_210 = vector.multi_reduction <minimumf>, %add3A_207, %reduce_min3A_209 [0] : vector<32x128xf32> to vector<128xf32>
    %broadcast_in_dim3A_211 = vector.shape_cast %reduce_min3A_210 : vector<128xf32> to vector<1x128xf32>
    %add3A_212 = arith.addf %add3A_193, %broadcast_in_dim3A_211 : vector<1x128xf32>
    %slice3A_213 = vector.extract_strided_slice %slice3A_40 {offsets = [9, 0], sizes = [1, 128], strides = [1, 1]} : vector<32x128xf32> to vector<1x128xf32>
    %sub3A_214 = vector.broadcast %slice3A_213 : vector<1x128xf32> to vector<32x128xf32>
    %sub3A_215 = arith.subf %slice3A, %sub3A_214 : vector<32x128xf32>
    %integer_pow3A_216 = arith.mulf %sub3A_215, %sub3A_215 : vector<32x128xf32>
    %slice3A_217 = vector.extract_strided_slice %slice3A_41 {offsets = [9, 0], sizes = [1, 128], strides = [1, 1]} : vector<32x128xf32> to vector<1x128xf32>
    %sub3A_218 = vector.broadcast %slice3A_217 : vector<1x128xf32> to vector<32x128xf32>
    %sub3A_219 = arith.subf %slice3A_35, %sub3A_218 : vector<32x128xf32>
    %integer_pow3A_220 = arith.mulf %sub3A_219, %sub3A_219 : vector<32x128xf32>
    %add3A_221 = arith.addf %integer_pow3A_216, %integer_pow3A_220 : vector<32x128xf32>
    %slice3A_222 = vector.extract_strided_slice %slice3A_42 {offsets = [9, 0], sizes = [1, 128], strides = [1, 1]} : vector<32x128xf32> to vector<1x128xf32>
    %sub3A_223 = vector.broadcast %slice3A_222 : vector<1x128xf32> to vector<32x128xf32>
    %sub3A_224 = arith.subf %slice3A_36, %sub3A_223 : vector<32x128xf32>
    %integer_pow3A_225 = arith.mulf %sub3A_224, %sub3A_224 : vector<32x128xf32>
    %add3A_226 = arith.addf %add3A_221, %integer_pow3A_225 : vector<32x128xf32>
    %min3A_227 = arith.minimumf %min3A_208, %add3A_226 : vector<32x128xf32>
    %reduce_min3A_228 = arith.constant dense<0x7F800000> : vector<128xf32>
    %reduce_min3A_229 = vector.multi_reduction <minimumf>, %add3A_226, %reduce_min3A_228 [0] : vector<32x128xf32> to vector<128xf32>
    %broadcast_in_dim3A_230 = vector.shape_cast %reduce_min3A_229 : vector<128xf32> to vector<1x128xf32>
    %add3A_231 = arith.addf %add3A_212, %broadcast_in_dim3A_230 : vector<1x128xf32>
    %slice3A_232 = vector.extract_strided_slice %slice3A_40 {offsets = [10, 0], sizes = [1, 128], strides = [1, 1]} : vector<32x128xf32> to vector<1x128xf32>
    %sub3A_233 = vector.broadcast %slice3A_232 : vector<1x128xf32> to vector<32x128xf32>
    %sub3A_234 = arith.subf %slice3A, %sub3A_233 : vector<32x128xf32>
    %integer_pow3A_235 = arith.mulf %sub3A_234, %sub3A_234 : vector<32x128xf32>
    %slice3A_236 = vector.extract_strided_slice %slice3A_41 {offsets = [10, 0], sizes = [1, 128], strides = [1, 1]} : vector<32x128xf32> to vector<1x128xf32>
    %sub3A_237 = vector.broadcast %slice3A_236 : vector<1x128xf32> to vector<32x128xf32>
    %sub3A_238 = arith.subf %slice3A_35, %sub3A_237 : vector<32x128xf32>
    %integer_pow3A_239 = arith.mulf %sub3A_238, %sub3A_238 : vector<32x128xf32>
    %add3A_240 = arith.addf %integer_pow3A_235, %integer_pow3A_239 : vector<32x128xf32>
    %slice3A_241 = vector.extract_strided_slice %slice3A_42 {offsets = [10, 0], sizes = [1, 128], strides = [1, 1]} : vector<32x128xf32> to vector<1x128xf32>
    %sub3A_242 = vector.broadcast %slice3A_241 : vector<1x128xf32> to vector<32x128xf32>
    %sub3A_243 = arith.subf %slice3A_36, %sub3A_242 : vector<32x128xf32>
    %integer_pow3A_244 = arith.mulf %sub3A_243, %sub3A_243 : vector<32x128xf32>
    %add3A_245 = arith.addf %add3A_240, %integer_pow3A_244 : vector<32x128xf32>
    %min3A_246 = arith.minimumf %min3A_227, %add3A_245 : vector<32x128xf32>
    %reduce_min3A_247 = arith.constant dense<0x7F800000> : vector<128xf32>
    %reduce_min3A_248 = vector.multi_reduction <minimumf>, %add3A_245, %reduce_min3A_247 [0] : vector<32x128xf32> to vector<128xf32>
    %broadcast_in_dim3A_249 = vector.shape_cast %reduce_min3A_248 : vector<128xf32> to vector<1x128xf32>
    %add3A_250 = arith.addf %add3A_231, %broadcast_in_dim3A_249 : vector<1x128xf32>
    %slice3A_251 = vector.extract_strided_slice %slice3A_40 {offsets = [11, 0], sizes = [1, 128], strides = [1, 1]} : vector<32x128xf32> to vector<1x128xf32>
    %sub3A_252 = vector.broadcast %slice3A_251 : vector<1x128xf32> to vector<32x128xf32>
    %sub3A_253 = arith.subf %slice3A, %sub3A_252 : vector<32x128xf32>
    %integer_pow3A_254 = arith.mulf %sub3A_253, %sub3A_253 : vector<32x128xf32>
    %slice3A_255 = vector.extract_strided_slice %slice3A_41 {offsets = [11, 0], sizes = [1, 128], strides = [1, 1]} : vector<32x128xf32> to vector<1x128xf32>
    %sub3A_256 = vector.broadcast %slice3A_255 : vector<1x128xf32> to vector<32x128xf32>
    %sub3A_257 = arith.subf %slice3A_35, %sub3A_256 : vector<32x128xf32>
    %integer_pow3A_258 = arith.mulf %sub3A_257, %sub3A_257 : vector<32x128xf32>
    %add3A_259 = arith.addf %integer_pow3A_254, %integer_pow3A_258 : vector<32x128xf32>
    %slice3A_260 = vector.extract_strided_slice %slice3A_42 {offsets = [11, 0], sizes = [1, 128], strides = [1, 1]} : vector<32x128xf32> to vector<1x128xf32>
    %sub3A_261 = vector.broadcast %slice3A_260 : vector<1x128xf32> to vector<32x128xf32>
    %sub3A_262 = arith.subf %slice3A_36, %sub3A_261 : vector<32x128xf32>
    %integer_pow3A_263 = arith.mulf %sub3A_262, %sub3A_262 : vector<32x128xf32>
    %add3A_264 = arith.addf %add3A_259, %integer_pow3A_263 : vector<32x128xf32>
    %min3A_265 = arith.minimumf %min3A_246, %add3A_264 : vector<32x128xf32>
    %reduce_min3A_266 = arith.constant dense<0x7F800000> : vector<128xf32>
    %reduce_min3A_267 = vector.multi_reduction <minimumf>, %add3A_264, %reduce_min3A_266 [0] : vector<32x128xf32> to vector<128xf32>
    %broadcast_in_dim3A_268 = vector.shape_cast %reduce_min3A_267 : vector<128xf32> to vector<1x128xf32>
    %add3A_269 = arith.addf %add3A_250, %broadcast_in_dim3A_268 : vector<1x128xf32>
    %slice3A_270 = vector.extract_strided_slice %slice3A_40 {offsets = [12, 0], sizes = [1, 128], strides = [1, 1]} : vector<32x128xf32> to vector<1x128xf32>
    %sub3A_271 = vector.broadcast %slice3A_270 : vector<1x128xf32> to vector<32x128xf32>
    %sub3A_272 = arith.subf %slice3A, %sub3A_271 : vector<32x128xf32>
    %integer_pow3A_273 = arith.mulf %sub3A_272, %sub3A_272 : vector<32x128xf32>
    %slice3A_274 = vector.extract_strided_slice %slice3A_41 {offsets = [12, 0], sizes = [1, 128], strides = [1, 1]} : vector<32x128xf32> to vector<1x128xf32>
    %sub3A_275 = vector.broadcast %slice3A_274 : vector<1x128xf32> to vector<32x128xf32>
    %sub3A_276 = arith.subf %slice3A_35, %sub3A_275 : vector<32x128xf32>
    %integer_pow3A_277 = arith.mulf %sub3A_276, %sub3A_276 : vector<32x128xf32>
    %add3A_278 = arith.addf %integer_pow3A_273, %integer_pow3A_277 : vector<32x128xf32>
    %slice3A_279 = vector.extract_strided_slice %slice3A_42 {offsets = [12, 0], sizes = [1, 128], strides = [1, 1]} : vector<32x128xf32> to vector<1x128xf32>
    %sub3A_280 = vector.broadcast %slice3A_279 : vector<1x128xf32> to vector<32x128xf32>
    %sub3A_281 = arith.subf %slice3A_36, %sub3A_280 : vector<32x128xf32>
    %integer_pow3A_282 = arith.mulf %sub3A_281, %sub3A_281 : vector<32x128xf32>
    %add3A_283 = arith.addf %add3A_278, %integer_pow3A_282 : vector<32x128xf32>
    %min3A_284 = arith.minimumf %min3A_265, %add3A_283 : vector<32x128xf32>
    %reduce_min3A_285 = arith.constant dense<0x7F800000> : vector<128xf32>
    %reduce_min3A_286 = vector.multi_reduction <minimumf>, %add3A_283, %reduce_min3A_285 [0] : vector<32x128xf32> to vector<128xf32>
    %broadcast_in_dim3A_287 = vector.shape_cast %reduce_min3A_286 : vector<128xf32> to vector<1x128xf32>
    %add3A_288 = arith.addf %add3A_269, %broadcast_in_dim3A_287 : vector<1x128xf32>
    %slice3A_289 = vector.extract_strided_slice %slice3A_40 {offsets = [13, 0], sizes = [1, 128], strides = [1, 1]} : vector<32x128xf32> to vector<1x128xf32>
    %sub3A_290 = vector.broadcast %slice3A_289 : vector<1x128xf32> to vector<32x128xf32>
    %sub3A_291 = arith.subf %slice3A, %sub3A_290 : vector<32x128xf32>
    %integer_pow3A_292 = arith.mulf %sub3A_291, %sub3A_291 : vector<32x128xf32>
    %slice3A_293 = vector.extract_strided_slice %slice3A_41 {offsets = [13, 0], sizes = [1, 128], strides = [1, 1]} : vector<32x128xf32> to vector<1x128xf32>
    %sub3A_294 = vector.broadcast %slice3A_293 : vector<1x128xf32> to vector<32x128xf32>
    %sub3A_295 = arith.subf %slice3A_35, %sub3A_294 : vector<32x128xf32>
    %integer_pow3A_296 = arith.mulf %sub3A_295, %sub3A_295 : vector<32x128xf32>
    %add3A_297 = arith.addf %integer_pow3A_292, %integer_pow3A_296 : vector<32x128xf32>
    %slice3A_298 = vector.extract_strided_slice %slice3A_42 {offsets = [13, 0], sizes = [1, 128], strides = [1, 1]} : vector<32x128xf32> to vector<1x128xf32>
    %sub3A_299 = vector.broadcast %slice3A_298 : vector<1x128xf32> to vector<32x128xf32>
    %sub3A_300 = arith.subf %slice3A_36, %sub3A_299 : vector<32x128xf32>
    %integer_pow3A_301 = arith.mulf %sub3A_300, %sub3A_300 : vector<32x128xf32>
    %add3A_302 = arith.addf %add3A_297, %integer_pow3A_301 : vector<32x128xf32>
    %min3A_303 = arith.minimumf %min3A_284, %add3A_302 : vector<32x128xf32>
    %reduce_min3A_304 = arith.constant dense<0x7F800000> : vector<128xf32>
    %reduce_min3A_305 = vector.multi_reduction <minimumf>, %add3A_302, %reduce_min3A_304 [0] : vector<32x128xf32> to vector<128xf32>
    %broadcast_in_dim3A_306 = vector.shape_cast %reduce_min3A_305 : vector<128xf32> to vector<1x128xf32>
    %add3A_307 = arith.addf %add3A_288, %broadcast_in_dim3A_306 : vector<1x128xf32>
    %slice3A_308 = vector.extract_strided_slice %slice3A_40 {offsets = [14, 0], sizes = [1, 128], strides = [1, 1]} : vector<32x128xf32> to vector<1x128xf32>
    %sub3A_309 = vector.broadcast %slice3A_308 : vector<1x128xf32> to vector<32x128xf32>
    %sub3A_310 = arith.subf %slice3A, %sub3A_309 : vector<32x128xf32>
    %integer_pow3A_311 = arith.mulf %sub3A_310, %sub3A_310 : vector<32x128xf32>
    %slice3A_312 = vector.extract_strided_slice %slice3A_41 {offsets = [14, 0], sizes = [1, 128], strides = [1, 1]} : vector<32x128xf32> to vector<1x128xf32>
    %sub3A_313 = vector.broadcast %slice3A_312 : vector<1x128xf32> to vector<32x128xf32>
    %sub3A_314 = arith.subf %slice3A_35, %sub3A_313 : vector<32x128xf32>
    %integer_pow3A_315 = arith.mulf %sub3A_314, %sub3A_314 : vector<32x128xf32>
    %add3A_316 = arith.addf %integer_pow3A_311, %integer_pow3A_315 : vector<32x128xf32>
    %slice3A_317 = vector.extract_strided_slice %slice3A_42 {offsets = [14, 0], sizes = [1, 128], strides = [1, 1]} : vector<32x128xf32> to vector<1x128xf32>
    %sub3A_318 = vector.broadcast %slice3A_317 : vector<1x128xf32> to vector<32x128xf32>
    %sub3A_319 = arith.subf %slice3A_36, %sub3A_318 : vector<32x128xf32>
    %integer_pow3A_320 = arith.mulf %sub3A_319, %sub3A_319 : vector<32x128xf32>
    %add3A_321 = arith.addf %add3A_316, %integer_pow3A_320 : vector<32x128xf32>
    %min3A_322 = arith.minimumf %min3A_303, %add3A_321 : vector<32x128xf32>
    %reduce_min3A_323 = arith.constant dense<0x7F800000> : vector<128xf32>
    %reduce_min3A_324 = vector.multi_reduction <minimumf>, %add3A_321, %reduce_min3A_323 [0] : vector<32x128xf32> to vector<128xf32>
    %broadcast_in_dim3A_325 = vector.shape_cast %reduce_min3A_324 : vector<128xf32> to vector<1x128xf32>
    %add3A_326 = arith.addf %add3A_307, %broadcast_in_dim3A_325 : vector<1x128xf32>
    %slice3A_327 = vector.extract_strided_slice %slice3A_40 {offsets = [15, 0], sizes = [1, 128], strides = [1, 1]} : vector<32x128xf32> to vector<1x128xf32>
    %sub3A_328 = vector.broadcast %slice3A_327 : vector<1x128xf32> to vector<32x128xf32>
    %sub3A_329 = arith.subf %slice3A, %sub3A_328 : vector<32x128xf32>
    %integer_pow3A_330 = arith.mulf %sub3A_329, %sub3A_329 : vector<32x128xf32>
    %slice3A_331 = vector.extract_strided_slice %slice3A_41 {offsets = [15, 0], sizes = [1, 128], strides = [1, 1]} : vector<32x128xf32> to vector<1x128xf32>
    %sub3A_332 = vector.broadcast %slice3A_331 : vector<1x128xf32> to vector<32x128xf32>
    %sub3A_333 = arith.subf %slice3A_35, %sub3A_332 : vector<32x128xf32>
    %integer_pow3A_334 = arith.mulf %sub3A_333, %sub3A_333 : vector<32x128xf32>
    %add3A_335 = arith.addf %integer_pow3A_330, %integer_pow3A_334 : vector<32x128xf32>
    %slice3A_336 = vector.extract_strided_slice %slice3A_42 {offsets = [15, 0], sizes = [1, 128], strides = [1, 1]} : vector<32x128xf32> to vector<1x128xf32>
    %sub3A_337 = vector.broadcast %slice3A_336 : vector<1x128xf32> to vector<32x128xf32>
    %sub3A_338 = arith.subf %slice3A_36, %sub3A_337 : vector<32x128xf32>
    %integer_pow3A_339 = arith.mulf %sub3A_338, %sub3A_338 : vector<32x128xf32>
    %add3A_340 = arith.addf %add3A_335, %integer_pow3A_339 : vector<32x128xf32>
    %min3A_341 = arith.minimumf %min3A_322, %add3A_340 : vector<32x128xf32>
    %reduce_min3A_342 = arith.constant dense<0x7F800000> : vector<128xf32>
    %reduce_min3A_343 = vector.multi_reduction <minimumf>, %add3A_340, %reduce_min3A_342 [0] : vector<32x128xf32> to vector<128xf32>
    %broadcast_in_dim3A_344 = vector.shape_cast %reduce_min3A_343 : vector<128xf32> to vector<1x128xf32>
    %add3A_345 = arith.addf %add3A_326, %broadcast_in_dim3A_344 : vector<1x128xf32>
    %slice3A_346 = vector.extract_strided_slice %slice3A_40 {offsets = [16, 0], sizes = [1, 128], strides = [1, 1]} : vector<32x128xf32> to vector<1x128xf32>
    %sub3A_347 = vector.broadcast %slice3A_346 : vector<1x128xf32> to vector<32x128xf32>
    %sub3A_348 = arith.subf %slice3A, %sub3A_347 : vector<32x128xf32>
    %integer_pow3A_349 = arith.mulf %sub3A_348, %sub3A_348 : vector<32x128xf32>
    %slice3A_350 = vector.extract_strided_slice %slice3A_41 {offsets = [16, 0], sizes = [1, 128], strides = [1, 1]} : vector<32x128xf32> to vector<1x128xf32>
    %sub3A_351 = vector.broadcast %slice3A_350 : vector<1x128xf32> to vector<32x128xf32>
    %sub3A_352 = arith.subf %slice3A_35, %sub3A_351 : vector<32x128xf32>
    %integer_pow3A_353 = arith.mulf %sub3A_352, %sub3A_352 : vector<32x128xf32>
    %add3A_354 = arith.addf %integer_pow3A_349, %integer_pow3A_353 : vector<32x128xf32>
    %slice3A_355 = vector.extract_strided_slice %slice3A_42 {offsets = [16, 0], sizes = [1, 128], strides = [1, 1]} : vector<32x128xf32> to vector<1x128xf32>
    %sub3A_356 = vector.broadcast %slice3A_355 : vector<1x128xf32> to vector<32x128xf32>
    %sub3A_357 = arith.subf %slice3A_36, %sub3A_356 : vector<32x128xf32>
    %integer_pow3A_358 = arith.mulf %sub3A_357, %sub3A_357 : vector<32x128xf32>
    %add3A_359 = arith.addf %add3A_354, %integer_pow3A_358 : vector<32x128xf32>
    %min3A_360 = arith.minimumf %min3A_341, %add3A_359 : vector<32x128xf32>
    %reduce_min3A_361 = arith.constant dense<0x7F800000> : vector<128xf32>
    %reduce_min3A_362 = vector.multi_reduction <minimumf>, %add3A_359, %reduce_min3A_361 [0] : vector<32x128xf32> to vector<128xf32>
    %broadcast_in_dim3A_363 = vector.shape_cast %reduce_min3A_362 : vector<128xf32> to vector<1x128xf32>
    %add3A_364 = arith.addf %add3A_345, %broadcast_in_dim3A_363 : vector<1x128xf32>
    %slice3A_365 = vector.extract_strided_slice %slice3A_40 {offsets = [17, 0], sizes = [1, 128], strides = [1, 1]} : vector<32x128xf32> to vector<1x128xf32>
    %sub3A_366 = vector.broadcast %slice3A_365 : vector<1x128xf32> to vector<32x128xf32>
    %sub3A_367 = arith.subf %slice3A, %sub3A_366 : vector<32x128xf32>
    %integer_pow3A_368 = arith.mulf %sub3A_367, %sub3A_367 : vector<32x128xf32>
    %slice3A_369 = vector.extract_strided_slice %slice3A_41 {offsets = [17, 0], sizes = [1, 128], strides = [1, 1]} : vector<32x128xf32> to vector<1x128xf32>
    %sub3A_370 = vector.broadcast %slice3A_369 : vector<1x128xf32> to vector<32x128xf32>
    %sub3A_371 = arith.subf %slice3A_35, %sub3A_370 : vector<32x128xf32>
    %integer_pow3A_372 = arith.mulf %sub3A_371, %sub3A_371 : vector<32x128xf32>
    %add3A_373 = arith.addf %integer_pow3A_368, %integer_pow3A_372 : vector<32x128xf32>
    %slice3A_374 = vector.extract_strided_slice %slice3A_42 {offsets = [17, 0], sizes = [1, 128], strides = [1, 1]} : vector<32x128xf32> to vector<1x128xf32>
    %sub3A_375 = vector.broadcast %slice3A_374 : vector<1x128xf32> to vector<32x128xf32>
    %sub3A_376 = arith.subf %slice3A_36, %sub3A_375 : vector<32x128xf32>
    %integer_pow3A_377 = arith.mulf %sub3A_376, %sub3A_376 : vector<32x128xf32>
    %add3A_378 = arith.addf %add3A_373, %integer_pow3A_377 : vector<32x128xf32>
    %min3A_379 = arith.minimumf %min3A_360, %add3A_378 : vector<32x128xf32>
    %reduce_min3A_380 = arith.constant dense<0x7F800000> : vector<128xf32>
    %reduce_min3A_381 = vector.multi_reduction <minimumf>, %add3A_378, %reduce_min3A_380 [0] : vector<32x128xf32> to vector<128xf32>
    %broadcast_in_dim3A_382 = vector.shape_cast %reduce_min3A_381 : vector<128xf32> to vector<1x128xf32>
    %add3A_383 = arith.addf %add3A_364, %broadcast_in_dim3A_382 : vector<1x128xf32>
    %slice3A_384 = vector.extract_strided_slice %slice3A_40 {offsets = [18, 0], sizes = [1, 128], strides = [1, 1]} : vector<32x128xf32> to vector<1x128xf32>
    %sub3A_385 = vector.broadcast %slice3A_384 : vector<1x128xf32> to vector<32x128xf32>
    %sub3A_386 = arith.subf %slice3A, %sub3A_385 : vector<32x128xf32>
    %integer_pow3A_387 = arith.mulf %sub3A_386, %sub3A_386 : vector<32x128xf32>
    %slice3A_388 = vector.extract_strided_slice %slice3A_41 {offsets = [18, 0], sizes = [1, 128], strides = [1, 1]} : vector<32x128xf32> to vector<1x128xf32>
    %sub3A_389 = vector.broadcast %slice3A_388 : vector<1x128xf32> to vector<32x128xf32>
    %sub3A_390 = arith.subf %slice3A_35, %sub3A_389 : vector<32x128xf32>
    %integer_pow3A_391 = arith.mulf %sub3A_390, %sub3A_390 : vector<32x128xf32>
    %add3A_392 = arith.addf %integer_pow3A_387, %integer_pow3A_391 : vector<32x128xf32>
    %slice3A_393 = vector.extract_strided_slice %slice3A_42 {offsets = [18, 0], sizes = [1, 128], strides = [1, 1]} : vector<32x128xf32> to vector<1x128xf32>
    %sub3A_394 = vector.broadcast %slice3A_393 : vector<1x128xf32> to vector<32x128xf32>
    %sub3A_395 = arith.subf %slice3A_36, %sub3A_394 : vector<32x128xf32>
    %integer_pow3A_396 = arith.mulf %sub3A_395, %sub3A_395 : vector<32x128xf32>
    %add3A_397 = arith.addf %add3A_392, %integer_pow3A_396 : vector<32x128xf32>
    %min3A_398 = arith.minimumf %min3A_379, %add3A_397 : vector<32x128xf32>
    %reduce_min3A_399 = arith.constant dense<0x7F800000> : vector<128xf32>
    %reduce_min3A_400 = vector.multi_reduction <minimumf>, %add3A_397, %reduce_min3A_399 [0] : vector<32x128xf32> to vector<128xf32>
    %broadcast_in_dim3A_401 = vector.shape_cast %reduce_min3A_400 : vector<128xf32> to vector<1x128xf32>
    %add3A_402 = arith.addf %add3A_383, %broadcast_in_dim3A_401 : vector<1x128xf32>
    %slice3A_403 = vector.extract_strided_slice %slice3A_40 {offsets = [19, 0], sizes = [1, 128], strides = [1, 1]} : vector<32x128xf32> to vector<1x128xf32>
    %sub3A_404 = vector.broadcast %slice3A_403 : vector<1x128xf32> to vector<32x128xf32>
    %sub3A_405 = arith.subf %slice3A, %sub3A_404 : vector<32x128xf32>
    %integer_pow3A_406 = arith.mulf %sub3A_405, %sub3A_405 : vector<32x128xf32>
    %slice3A_407 = vector.extract_strided_slice %slice3A_41 {offsets = [19, 0], sizes = [1, 128], strides = [1, 1]} : vector<32x128xf32> to vector<1x128xf32>
    %sub3A_408 = vector.broadcast %slice3A_407 : vector<1x128xf32> to vector<32x128xf32>
    %sub3A_409 = arith.subf %slice3A_35, %sub3A_408 : vector<32x128xf32>
    %integer_pow3A_410 = arith.mulf %sub3A_409, %sub3A_409 : vector<32x128xf32>
    %add3A_411 = arith.addf %integer_pow3A_406, %integer_pow3A_410 : vector<32x128xf32>
    %slice3A_412 = vector.extract_strided_slice %slice3A_42 {offsets = [19, 0], sizes = [1, 128], strides = [1, 1]} : vector<32x128xf32> to vector<1x128xf32>
    %sub3A_413 = vector.broadcast %slice3A_412 : vector<1x128xf32> to vector<32x128xf32>
    %sub3A_414 = arith.subf %slice3A_36, %sub3A_413 : vector<32x128xf32>
    %integer_pow3A_415 = arith.mulf %sub3A_414, %sub3A_414 : vector<32x128xf32>
    %add3A_416 = arith.addf %add3A_411, %integer_pow3A_415 : vector<32x128xf32>
    %min3A_417 = arith.minimumf %min3A_398, %add3A_416 : vector<32x128xf32>
    %reduce_min3A_418 = arith.constant dense<0x7F800000> : vector<128xf32>
    %reduce_min3A_419 = vector.multi_reduction <minimumf>, %add3A_416, %reduce_min3A_418 [0] : vector<32x128xf32> to vector<128xf32>
    %broadcast_in_dim3A_420 = vector.shape_cast %reduce_min3A_419 : vector<128xf32> to vector<1x128xf32>
    %add3A_421 = arith.addf %add3A_402, %broadcast_in_dim3A_420 : vector<1x128xf32>
    %slice3A_422 = vector.extract_strided_slice %slice3A_40 {offsets = [20, 0], sizes = [1, 128], strides = [1, 1]} : vector<32x128xf32> to vector<1x128xf32>
    %sub3A_423 = vector.broadcast %slice3A_422 : vector<1x128xf32> to vector<32x128xf32>
    %sub3A_424 = arith.subf %slice3A, %sub3A_423 : vector<32x128xf32>
    %integer_pow3A_425 = arith.mulf %sub3A_424, %sub3A_424 : vector<32x128xf32>
    %slice3A_426 = vector.extract_strided_slice %slice3A_41 {offsets = [20, 0], sizes = [1, 128], strides = [1, 1]} : vector<32x128xf32> to vector<1x128xf32>
    %sub3A_427 = vector.broadcast %slice3A_426 : vector<1x128xf32> to vector<32x128xf32>
    %sub3A_428 = arith.subf %slice3A_35, %sub3A_427 : vector<32x128xf32>
    %integer_pow3A_429 = arith.mulf %sub3A_428, %sub3A_428 : vector<32x128xf32>
    %add3A_430 = arith.addf %integer_pow3A_425, %integer_pow3A_429 : vector<32x128xf32>
    %slice3A_431 = vector.extract_strided_slice %slice3A_42 {offsets = [20, 0], sizes = [1, 128], strides = [1, 1]} : vector<32x128xf32> to vector<1x128xf32>
    %sub3A_432 = vector.broadcast %slice3A_431 : vector<1x128xf32> to vector<32x128xf32>
    %sub3A_433 = arith.subf %slice3A_36, %sub3A_432 : vector<32x128xf32>
    %integer_pow3A_434 = arith.mulf %sub3A_433, %sub3A_433 : vector<32x128xf32>
    %add3A_435 = arith.addf %add3A_430, %integer_pow3A_434 : vector<32x128xf32>
    %min3A_436 = arith.minimumf %min3A_417, %add3A_435 : vector<32x128xf32>
    %reduce_min3A_437 = arith.constant dense<0x7F800000> : vector<128xf32>
    %reduce_min3A_438 = vector.multi_reduction <minimumf>, %add3A_435, %reduce_min3A_437 [0] : vector<32x128xf32> to vector<128xf32>
    %broadcast_in_dim3A_439 = vector.shape_cast %reduce_min3A_438 : vector<128xf32> to vector<1x128xf32>
    %add3A_440 = arith.addf %add3A_421, %broadcast_in_dim3A_439 : vector<1x128xf32>
    %slice3A_441 = vector.extract_strided_slice %slice3A_40 {offsets = [21, 0], sizes = [1, 128], strides = [1, 1]} : vector<32x128xf32> to vector<1x128xf32>
    %sub3A_442 = vector.broadcast %slice3A_441 : vector<1x128xf32> to vector<32x128xf32>
    %sub3A_443 = arith.subf %slice3A, %sub3A_442 : vector<32x128xf32>
    %integer_pow3A_444 = arith.mulf %sub3A_443, %sub3A_443 : vector<32x128xf32>
    %slice3A_445 = vector.extract_strided_slice %slice3A_41 {offsets = [21, 0], sizes = [1, 128], strides = [1, 1]} : vector<32x128xf32> to vector<1x128xf32>
    %sub3A_446 = vector.broadcast %slice3A_445 : vector<1x128xf32> to vector<32x128xf32>
    %sub3A_447 = arith.subf %slice3A_35, %sub3A_446 : vector<32x128xf32>
    %integer_pow3A_448 = arith.mulf %sub3A_447, %sub3A_447 : vector<32x128xf32>
    %add3A_449 = arith.addf %integer_pow3A_444, %integer_pow3A_448 : vector<32x128xf32>
    %slice3A_450 = vector.extract_strided_slice %slice3A_42 {offsets = [21, 0], sizes = [1, 128], strides = [1, 1]} : vector<32x128xf32> to vector<1x128xf32>
    %sub3A_451 = vector.broadcast %slice3A_450 : vector<1x128xf32> to vector<32x128xf32>
    %sub3A_452 = arith.subf %slice3A_36, %sub3A_451 : vector<32x128xf32>
    %integer_pow3A_453 = arith.mulf %sub3A_452, %sub3A_452 : vector<32x128xf32>
    %add3A_454 = arith.addf %add3A_449, %integer_pow3A_453 : vector<32x128xf32>
    %min3A_455 = arith.minimumf %min3A_436, %add3A_454 : vector<32x128xf32>
    %reduce_min3A_456 = arith.constant dense<0x7F800000> : vector<128xf32>
    %reduce_min3A_457 = vector.multi_reduction <minimumf>, %add3A_454, %reduce_min3A_456 [0] : vector<32x128xf32> to vector<128xf32>
    %broadcast_in_dim3A_458 = vector.shape_cast %reduce_min3A_457 : vector<128xf32> to vector<1x128xf32>
    %add3A_459 = arith.addf %add3A_440, %broadcast_in_dim3A_458 : vector<1x128xf32>
    %slice3A_460 = vector.extract_strided_slice %slice3A_40 {offsets = [22, 0], sizes = [1, 128], strides = [1, 1]} : vector<32x128xf32> to vector<1x128xf32>
    %sub3A_461 = vector.broadcast %slice3A_460 : vector<1x128xf32> to vector<32x128xf32>
    %sub3A_462 = arith.subf %slice3A, %sub3A_461 : vector<32x128xf32>
    %integer_pow3A_463 = arith.mulf %sub3A_462, %sub3A_462 : vector<32x128xf32>
    %slice3A_464 = vector.extract_strided_slice %slice3A_41 {offsets = [22, 0], sizes = [1, 128], strides = [1, 1]} : vector<32x128xf32> to vector<1x128xf32>
    %sub3A_465 = vector.broadcast %slice3A_464 : vector<1x128xf32> to vector<32x128xf32>
    %sub3A_466 = arith.subf %slice3A_35, %sub3A_465 : vector<32x128xf32>
    %integer_pow3A_467 = arith.mulf %sub3A_466, %sub3A_466 : vector<32x128xf32>
    %add3A_468 = arith.addf %integer_pow3A_463, %integer_pow3A_467 : vector<32x128xf32>
    %slice3A_469 = vector.extract_strided_slice %slice3A_42 {offsets = [22, 0], sizes = [1, 128], strides = [1, 1]} : vector<32x128xf32> to vector<1x128xf32>
    %sub3A_470 = vector.broadcast %slice3A_469 : vector<1x128xf32> to vector<32x128xf32>
    %sub3A_471 = arith.subf %slice3A_36, %sub3A_470 : vector<32x128xf32>
    %integer_pow3A_472 = arith.mulf %sub3A_471, %sub3A_471 : vector<32x128xf32>
    %add3A_473 = arith.addf %add3A_468, %integer_pow3A_472 : vector<32x128xf32>
    %min3A_474 = arith.minimumf %min3A_455, %add3A_473 : vector<32x128xf32>
    %reduce_min3A_475 = arith.constant dense<0x7F800000> : vector<128xf32>
    %reduce_min3A_476 = vector.multi_reduction <minimumf>, %add3A_473, %reduce_min3A_475 [0] : vector<32x128xf32> to vector<128xf32>
    %broadcast_in_dim3A_477 = vector.shape_cast %reduce_min3A_476 : vector<128xf32> to vector<1x128xf32>
    %add3A_478 = arith.addf %add3A_459, %broadcast_in_dim3A_477 : vector<1x128xf32>
    %slice3A_479 = vector.extract_strided_slice %slice3A_40 {offsets = [23, 0], sizes = [1, 128], strides = [1, 1]} : vector<32x128xf32> to vector<1x128xf32>
    %sub3A_480 = vector.broadcast %slice3A_479 : vector<1x128xf32> to vector<32x128xf32>
    %sub3A_481 = arith.subf %slice3A, %sub3A_480 : vector<32x128xf32>
    %integer_pow3A_482 = arith.mulf %sub3A_481, %sub3A_481 : vector<32x128xf32>
    %slice3A_483 = vector.extract_strided_slice %slice3A_41 {offsets = [23, 0], sizes = [1, 128], strides = [1, 1]} : vector<32x128xf32> to vector<1x128xf32>
    %sub3A_484 = vector.broadcast %slice3A_483 : vector<1x128xf32> to vector<32x128xf32>
    %sub3A_485 = arith.subf %slice3A_35, %sub3A_484 : vector<32x128xf32>
    %integer_pow3A_486 = arith.mulf %sub3A_485, %sub3A_485 : vector<32x128xf32>
    %add3A_487 = arith.addf %integer_pow3A_482, %integer_pow3A_486 : vector<32x128xf32>
    %slice3A_488 = vector.extract_strided_slice %slice3A_42 {offsets = [23, 0], sizes = [1, 128], strides = [1, 1]} : vector<32x128xf32> to vector<1x128xf32>
    %sub3A_489 = vector.broadcast %slice3A_488 : vector<1x128xf32> to vector<32x128xf32>
    %sub3A_490 = arith.subf %slice3A_36, %sub3A_489 : vector<32x128xf32>
    %integer_pow3A_491 = arith.mulf %sub3A_490, %sub3A_490 : vector<32x128xf32>
    %add3A_492 = arith.addf %add3A_487, %integer_pow3A_491 : vector<32x128xf32>
    %min3A_493 = arith.minimumf %min3A_474, %add3A_492 : vector<32x128xf32>
    %reduce_min3A_494 = arith.constant dense<0x7F800000> : vector<128xf32>
    %reduce_min3A_495 = vector.multi_reduction <minimumf>, %add3A_492, %reduce_min3A_494 [0] : vector<32x128xf32> to vector<128xf32>
    %broadcast_in_dim3A_496 = vector.shape_cast %reduce_min3A_495 : vector<128xf32> to vector<1x128xf32>
    %add3A_497 = arith.addf %add3A_478, %broadcast_in_dim3A_496 : vector<1x128xf32>
    %slice3A_498 = vector.extract_strided_slice %slice3A_40 {offsets = [24, 0], sizes = [1, 128], strides = [1, 1]} : vector<32x128xf32> to vector<1x128xf32>
    %sub3A_499 = vector.broadcast %slice3A_498 : vector<1x128xf32> to vector<32x128xf32>
    %sub3A_500 = arith.subf %slice3A, %sub3A_499 : vector<32x128xf32>
    %integer_pow3A_501 = arith.mulf %sub3A_500, %sub3A_500 : vector<32x128xf32>
    %slice3A_502 = vector.extract_strided_slice %slice3A_41 {offsets = [24, 0], sizes = [1, 128], strides = [1, 1]} : vector<32x128xf32> to vector<1x128xf32>
    %sub3A_503 = vector.broadcast %slice3A_502 : vector<1x128xf32> to vector<32x128xf32>
    %sub3A_504 = arith.subf %slice3A_35, %sub3A_503 : vector<32x128xf32>
    %integer_pow3A_505 = arith.mulf %sub3A_504, %sub3A_504 : vector<32x128xf32>
    %add3A_506 = arith.addf %integer_pow3A_501, %integer_pow3A_505 : vector<32x128xf32>
    %slice3A_507 = vector.extract_strided_slice %slice3A_42 {offsets = [24, 0], sizes = [1, 128], strides = [1, 1]} : vector<32x128xf32> to vector<1x128xf32>
    %sub3A_508 = vector.broadcast %slice3A_507 : vector<1x128xf32> to vector<32x128xf32>
    %sub3A_509 = arith.subf %slice3A_36, %sub3A_508 : vector<32x128xf32>
    %integer_pow3A_510 = arith.mulf %sub3A_509, %sub3A_509 : vector<32x128xf32>
    %add3A_511 = arith.addf %add3A_506, %integer_pow3A_510 : vector<32x128xf32>
    %min3A_512 = arith.minimumf %min3A_493, %add3A_511 : vector<32x128xf32>
    %reduce_min3A_513 = arith.constant dense<0x7F800000> : vector<128xf32>
    %reduce_min3A_514 = vector.multi_reduction <minimumf>, %add3A_511, %reduce_min3A_513 [0] : vector<32x128xf32> to vector<128xf32>
    %broadcast_in_dim3A_515 = vector.shape_cast %reduce_min3A_514 : vector<128xf32> to vector<1x128xf32>
    %add3A_516 = arith.addf %add3A_497, %broadcast_in_dim3A_515 : vector<1x128xf32>
    %slice3A_517 = vector.extract_strided_slice %slice3A_40 {offsets = [25, 0], sizes = [1, 128], strides = [1, 1]} : vector<32x128xf32> to vector<1x128xf32>
    %sub3A_518 = vector.broadcast %slice3A_517 : vector<1x128xf32> to vector<32x128xf32>
    %sub3A_519 = arith.subf %slice3A, %sub3A_518 : vector<32x128xf32>
    %integer_pow3A_520 = arith.mulf %sub3A_519, %sub3A_519 : vector<32x128xf32>
    %slice3A_521 = vector.extract_strided_slice %slice3A_41 {offsets = [25, 0], sizes = [1, 128], strides = [1, 1]} : vector<32x128xf32> to vector<1x128xf32>
    %sub3A_522 = vector.broadcast %slice3A_521 : vector<1x128xf32> to vector<32x128xf32>
    %sub3A_523 = arith.subf %slice3A_35, %sub3A_522 : vector<32x128xf32>
    %integer_pow3A_524 = arith.mulf %sub3A_523, %sub3A_523 : vector<32x128xf32>
    %add3A_525 = arith.addf %integer_pow3A_520, %integer_pow3A_524 : vector<32x128xf32>
    %slice3A_526 = vector.extract_strided_slice %slice3A_42 {offsets = [25, 0], sizes = [1, 128], strides = [1, 1]} : vector<32x128xf32> to vector<1x128xf32>
    %sub3A_527 = vector.broadcast %slice3A_526 : vector<1x128xf32> to vector<32x128xf32>
    %sub3A_528 = arith.subf %slice3A_36, %sub3A_527 : vector<32x128xf32>
    %integer_pow3A_529 = arith.mulf %sub3A_528, %sub3A_528 : vector<32x128xf32>
    %add3A_530 = arith.addf %add3A_525, %integer_pow3A_529 : vector<32x128xf32>
    %min3A_531 = arith.minimumf %min3A_512, %add3A_530 : vector<32x128xf32>
    %reduce_min3A_532 = arith.constant dense<0x7F800000> : vector<128xf32>
    %reduce_min3A_533 = vector.multi_reduction <minimumf>, %add3A_530, %reduce_min3A_532 [0] : vector<32x128xf32> to vector<128xf32>
    %broadcast_in_dim3A_534 = vector.shape_cast %reduce_min3A_533 : vector<128xf32> to vector<1x128xf32>
    %add3A_535 = arith.addf %add3A_516, %broadcast_in_dim3A_534 : vector<1x128xf32>
    %slice3A_536 = vector.extract_strided_slice %slice3A_40 {offsets = [26, 0], sizes = [1, 128], strides = [1, 1]} : vector<32x128xf32> to vector<1x128xf32>
    %sub3A_537 = vector.broadcast %slice3A_536 : vector<1x128xf32> to vector<32x128xf32>
    %sub3A_538 = arith.subf %slice3A, %sub3A_537 : vector<32x128xf32>
    %integer_pow3A_539 = arith.mulf %sub3A_538, %sub3A_538 : vector<32x128xf32>
    %slice3A_540 = vector.extract_strided_slice %slice3A_41 {offsets = [26, 0], sizes = [1, 128], strides = [1, 1]} : vector<32x128xf32> to vector<1x128xf32>
    %sub3A_541 = vector.broadcast %slice3A_540 : vector<1x128xf32> to vector<32x128xf32>
    %sub3A_542 = arith.subf %slice3A_35, %sub3A_541 : vector<32x128xf32>
    %integer_pow3A_543 = arith.mulf %sub3A_542, %sub3A_542 : vector<32x128xf32>
    %add3A_544 = arith.addf %integer_pow3A_539, %integer_pow3A_543 : vector<32x128xf32>
    %slice3A_545 = vector.extract_strided_slice %slice3A_42 {offsets = [26, 0], sizes = [1, 128], strides = [1, 1]} : vector<32x128xf32> to vector<1x128xf32>
    %sub3A_546 = vector.broadcast %slice3A_545 : vector<1x128xf32> to vector<32x128xf32>
    %sub3A_547 = arith.subf %slice3A_36, %sub3A_546 : vector<32x128xf32>
    %integer_pow3A_548 = arith.mulf %sub3A_547, %sub3A_547 : vector<32x128xf32>
    %add3A_549 = arith.addf %add3A_544, %integer_pow3A_548 : vector<32x128xf32>
    %min3A_550 = arith.minimumf %min3A_531, %add3A_549 : vector<32x128xf32>
    %reduce_min3A_551 = arith.constant dense<0x7F800000> : vector<128xf32>
    %reduce_min3A_552 = vector.multi_reduction <minimumf>, %add3A_549, %reduce_min3A_551 [0] : vector<32x128xf32> to vector<128xf32>
    %broadcast_in_dim3A_553 = vector.shape_cast %reduce_min3A_552 : vector<128xf32> to vector<1x128xf32>
    %add3A_554 = arith.addf %add3A_535, %broadcast_in_dim3A_553 : vector<1x128xf32>
    %slice3A_555 = vector.extract_strided_slice %slice3A_40 {offsets = [27, 0], sizes = [1, 128], strides = [1, 1]} : vector<32x128xf32> to vector<1x128xf32>
    %sub3A_556 = vector.broadcast %slice3A_555 : vector<1x128xf32> to vector<32x128xf32>
    %sub3A_557 = arith.subf %slice3A, %sub3A_556 : vector<32x128xf32>
    %integer_pow3A_558 = arith.mulf %sub3A_557, %sub3A_557 : vector<32x128xf32>
    %slice3A_559 = vector.extract_strided_slice %slice3A_41 {offsets = [27, 0], sizes = [1, 128], strides = [1, 1]} : vector<32x128xf32> to vector<1x128xf32>
    %sub3A_560 = vector.broadcast %slice3A_559 : vector<1x128xf32> to vector<32x128xf32>
    %sub3A_561 = arith.subf %slice3A_35, %sub3A_560 : vector<32x128xf32>
    %integer_pow3A_562 = arith.mulf %sub3A_561, %sub3A_561 : vector<32x128xf32>
    %add3A_563 = arith.addf %integer_pow3A_558, %integer_pow3A_562 : vector<32x128xf32>
    %slice3A_564 = vector.extract_strided_slice %slice3A_42 {offsets = [27, 0], sizes = [1, 128], strides = [1, 1]} : vector<32x128xf32> to vector<1x128xf32>
    %sub3A_565 = vector.broadcast %slice3A_564 : vector<1x128xf32> to vector<32x128xf32>
    %sub3A_566 = arith.subf %slice3A_36, %sub3A_565 : vector<32x128xf32>
    %integer_pow3A_567 = arith.mulf %sub3A_566, %sub3A_566 : vector<32x128xf32>
    %add3A_568 = arith.addf %add3A_563, %integer_pow3A_567 : vector<32x128xf32>
    %min3A_569 = arith.minimumf %min3A_550, %add3A_568 : vector<32x128xf32>
    %reduce_min3A_570 = arith.constant dense<0x7F800000> : vector<128xf32>
    %reduce_min3A_571 = vector.multi_reduction <minimumf>, %add3A_568, %reduce_min3A_570 [0] : vector<32x128xf32> to vector<128xf32>
    %broadcast_in_dim3A_572 = vector.shape_cast %reduce_min3A_571 : vector<128xf32> to vector<1x128xf32>
    %add3A_573 = arith.addf %add3A_554, %broadcast_in_dim3A_572 : vector<1x128xf32>
    %slice3A_574 = vector.extract_strided_slice %slice3A_40 {offsets = [28, 0], sizes = [1, 128], strides = [1, 1]} : vector<32x128xf32> to vector<1x128xf32>
    %sub3A_575 = vector.broadcast %slice3A_574 : vector<1x128xf32> to vector<32x128xf32>
    %sub3A_576 = arith.subf %slice3A, %sub3A_575 : vector<32x128xf32>
    %integer_pow3A_577 = arith.mulf %sub3A_576, %sub3A_576 : vector<32x128xf32>
    %slice3A_578 = vector.extract_strided_slice %slice3A_41 {offsets = [28, 0], sizes = [1, 128], strides = [1, 1]} : vector<32x128xf32> to vector<1x128xf32>
    %sub3A_579 = vector.broadcast %slice3A_578 : vector<1x128xf32> to vector<32x128xf32>
    %sub3A_580 = arith.subf %slice3A_35, %sub3A_579 : vector<32x128xf32>
    %integer_pow3A_581 = arith.mulf %sub3A_580, %sub3A_580 : vector<32x128xf32>
    %add3A_582 = arith.addf %integer_pow3A_577, %integer_pow3A_581 : vector<32x128xf32>
    %slice3A_583 = vector.extract_strided_slice %slice3A_42 {offsets = [28, 0], sizes = [1, 128], strides = [1, 1]} : vector<32x128xf32> to vector<1x128xf32>
    %sub3A_584 = vector.broadcast %slice3A_583 : vector<1x128xf32> to vector<32x128xf32>
    %sub3A_585 = arith.subf %slice3A_36, %sub3A_584 : vector<32x128xf32>
    %integer_pow3A_586 = arith.mulf %sub3A_585, %sub3A_585 : vector<32x128xf32>
    %add3A_587 = arith.addf %add3A_582, %integer_pow3A_586 : vector<32x128xf32>
    %min3A_588 = arith.minimumf %min3A_569, %add3A_587 : vector<32x128xf32>
    %reduce_min3A_589 = arith.constant dense<0x7F800000> : vector<128xf32>
    %reduce_min3A_590 = vector.multi_reduction <minimumf>, %add3A_587, %reduce_min3A_589 [0] : vector<32x128xf32> to vector<128xf32>
    %broadcast_in_dim3A_591 = vector.shape_cast %reduce_min3A_590 : vector<128xf32> to vector<1x128xf32>
    %add3A_592 = arith.addf %add3A_573, %broadcast_in_dim3A_591 : vector<1x128xf32>
    %slice3A_593 = vector.extract_strided_slice %slice3A_40 {offsets = [29, 0], sizes = [1, 128], strides = [1, 1]} : vector<32x128xf32> to vector<1x128xf32>
    %sub3A_594 = vector.broadcast %slice3A_593 : vector<1x128xf32> to vector<32x128xf32>
    %sub3A_595 = arith.subf %slice3A, %sub3A_594 : vector<32x128xf32>
    %integer_pow3A_596 = arith.mulf %sub3A_595, %sub3A_595 : vector<32x128xf32>
    %slice3A_597 = vector.extract_strided_slice %slice3A_41 {offsets = [29, 0], sizes = [1, 128], strides = [1, 1]} : vector<32x128xf32> to vector<1x128xf32>
    %sub3A_598 = vector.broadcast %slice3A_597 : vector<1x128xf32> to vector<32x128xf32>
    %sub3A_599 = arith.subf %slice3A_35, %sub3A_598 : vector<32x128xf32>
    %integer_pow3A_600 = arith.mulf %sub3A_599, %sub3A_599 : vector<32x128xf32>
    %add3A_601 = arith.addf %integer_pow3A_596, %integer_pow3A_600 : vector<32x128xf32>
    %slice3A_602 = vector.extract_strided_slice %slice3A_42 {offsets = [29, 0], sizes = [1, 128], strides = [1, 1]} : vector<32x128xf32> to vector<1x128xf32>
    %sub3A_603 = vector.broadcast %slice3A_602 : vector<1x128xf32> to vector<32x128xf32>
    %sub3A_604 = arith.subf %slice3A_36, %sub3A_603 : vector<32x128xf32>
    %integer_pow3A_605 = arith.mulf %sub3A_604, %sub3A_604 : vector<32x128xf32>
    %add3A_606 = arith.addf %add3A_601, %integer_pow3A_605 : vector<32x128xf32>
    %min3A_607 = arith.minimumf %min3A_588, %add3A_606 : vector<32x128xf32>
    %reduce_min3A_608 = arith.constant dense<0x7F800000> : vector<128xf32>
    %reduce_min3A_609 = vector.multi_reduction <minimumf>, %add3A_606, %reduce_min3A_608 [0] : vector<32x128xf32> to vector<128xf32>
    %broadcast_in_dim3A_610 = vector.shape_cast %reduce_min3A_609 : vector<128xf32> to vector<1x128xf32>
    %add3A_611 = arith.addf %add3A_592, %broadcast_in_dim3A_610 : vector<1x128xf32>
    %slice3A_612 = vector.extract_strided_slice %slice3A_40 {offsets = [30, 0], sizes = [1, 128], strides = [1, 1]} : vector<32x128xf32> to vector<1x128xf32>
    %sub3A_613 = vector.broadcast %slice3A_612 : vector<1x128xf32> to vector<32x128xf32>
    %sub3A_614 = arith.subf %slice3A, %sub3A_613 : vector<32x128xf32>
    %integer_pow3A_615 = arith.mulf %sub3A_614, %sub3A_614 : vector<32x128xf32>
    %slice3A_616 = vector.extract_strided_slice %slice3A_41 {offsets = [30, 0], sizes = [1, 128], strides = [1, 1]} : vector<32x128xf32> to vector<1x128xf32>
    %sub3A_617 = vector.broadcast %slice3A_616 : vector<1x128xf32> to vector<32x128xf32>
    %sub3A_618 = arith.subf %slice3A_35, %sub3A_617 : vector<32x128xf32>
    %integer_pow3A_619 = arith.mulf %sub3A_618, %sub3A_618 : vector<32x128xf32>
    %add3A_620 = arith.addf %integer_pow3A_615, %integer_pow3A_619 : vector<32x128xf32>
    %slice3A_621 = vector.extract_strided_slice %slice3A_42 {offsets = [30, 0], sizes = [1, 128], strides = [1, 1]} : vector<32x128xf32> to vector<1x128xf32>
    %sub3A_622 = vector.broadcast %slice3A_621 : vector<1x128xf32> to vector<32x128xf32>
    %sub3A_623 = arith.subf %slice3A_36, %sub3A_622 : vector<32x128xf32>
    %integer_pow3A_624 = arith.mulf %sub3A_623, %sub3A_623 : vector<32x128xf32>
    %add3A_625 = arith.addf %add3A_620, %integer_pow3A_624 : vector<32x128xf32>
    %min3A_626 = arith.minimumf %min3A_607, %add3A_625 : vector<32x128xf32>
    %reduce_min3A_627 = arith.constant dense<0x7F800000> : vector<128xf32>
    %reduce_min3A_628 = vector.multi_reduction <minimumf>, %add3A_625, %reduce_min3A_627 [0] : vector<32x128xf32> to vector<128xf32>
    %broadcast_in_dim3A_629 = vector.shape_cast %reduce_min3A_628 : vector<128xf32> to vector<1x128xf32>
    %add3A_630 = arith.addf %add3A_611, %broadcast_in_dim3A_629 : vector<1x128xf32>
    %slice3A_631 = vector.extract_strided_slice %slice3A_40 {offsets = [31, 0], sizes = [1, 128], strides = [1, 1]} : vector<32x128xf32> to vector<1x128xf32>
    %sub3A_632 = vector.broadcast %slice3A_631 : vector<1x128xf32> to vector<32x128xf32>
    %sub3A_633 = arith.subf %slice3A, %sub3A_632 : vector<32x128xf32>
    %integer_pow3A_634 = arith.mulf %sub3A_633, %sub3A_633 : vector<32x128xf32>
    %slice3A_635 = vector.extract_strided_slice %slice3A_41 {offsets = [31, 0], sizes = [1, 128], strides = [1, 1]} : vector<32x128xf32> to vector<1x128xf32>
    %sub3A_636 = vector.broadcast %slice3A_635 : vector<1x128xf32> to vector<32x128xf32>
    %sub3A_637 = arith.subf %slice3A_35, %sub3A_636 : vector<32x128xf32>
    %integer_pow3A_638 = arith.mulf %sub3A_637, %sub3A_637 : vector<32x128xf32>
    %add3A_639 = arith.addf %integer_pow3A_634, %integer_pow3A_638 : vector<32x128xf32>
    %slice3A_640 = vector.extract_strided_slice %slice3A_42 {offsets = [31, 0], sizes = [1, 128], strides = [1, 1]} : vector<32x128xf32> to vector<1x128xf32>
    %sub3A_641 = vector.broadcast %slice3A_640 : vector<1x128xf32> to vector<32x128xf32>
    %sub3A_642 = arith.subf %slice3A_36, %sub3A_641 : vector<32x128xf32>
    %integer_pow3A_643 = arith.mulf %sub3A_642, %sub3A_642 : vector<32x128xf32>
    %add3A_644 = arith.addf %add3A_639, %integer_pow3A_643 : vector<32x128xf32>
    %min3A_645 = arith.minimumf %min3A_626, %add3A_644 : vector<32x128xf32>
    %reduce_min3A_646 = arith.constant dense<0x7F800000> : vector<128xf32>
    %reduce_min3A_647 = vector.multi_reduction <minimumf>, %add3A_644, %reduce_min3A_646 [0] : vector<32x128xf32> to vector<128xf32>
    %broadcast_in_dim3A_648 = vector.shape_cast %reduce_min3A_647 : vector<128xf32> to vector<1x128xf32>
    %add3A_649 = arith.addf %add3A_630, %broadcast_in_dim3A_648 : vector<1x128xf32>
    %reduce_sum3A = vector.shape_cast %add3A_649 : vector<1x128xf32> to vector<1x1x128xf32>
    %reduce_sum3A_650 = arith.constant dense<0.000000e+00> : vector<1xf32>
    %reduce_sum3A_651 = vector.multi_reduction <add>, %reduce_sum3A, %reduce_sum3A_650 [1, 2] : vector<1x1x128xf32> to vector<1xf32>
    %reduce_sum3A_652 = vector.shape_cast %reduce_sum3A_651 : vector<1xf32> to vector<1x1x1xf32>
    %reduce_sum3A_653 = vector.extract %reduce_sum3A_652[0, 0, 0] : f32 from vector<1x1x1xf32>
    %reduce_sum3A_654 = vector.shape_cast %min3A_645 : vector<32x128xf32> to vector<1x32x128xf32>
    %reduce_sum3A_655 = arith.constant dense<0.000000e+00> : vector<1xf32>
    %reduce_sum3A_656 = vector.multi_reduction <add>, %reduce_sum3A_654, %reduce_sum3A_655 [1, 2] : vector<1x32x128xf32> to vector<1xf32>
    %reduce_sum3A_657 = vector.shape_cast %reduce_sum3A_656 : vector<1xf32> to vector<1x1x1xf32>
    %reduce_sum3A_658 = vector.extract %reduce_sum3A_657[0, 0, 0] : f32 from vector<1x1x1xf32>
    %add3A_659 = arith.addf %reduce_sum3A_653, %reduce_sum3A_658 : f32
    %eq3A = arith.constant 0 : i32
    %eq3A_660 = arith.cmpi eq, %arg0, %eq3A : i32
    %convert_element_type3A = arith.extui %eq3A_660 : i1 to i32
    %cond3A = arith.constant 0 : i32
    %cond3A_661 = arith.cmpi ne, %convert_element_type3A, %cond3A : i32
    scf.if %cond3A_661 {
      %broadcast_in_dim3A_668 = arith.constant 0.000000e+00 : f32
      %broadcast_in_dim3A_669 = vector.broadcast %broadcast_in_dim3A_668 : f32 to vector<1x1xf32>
      %swap3A_670 = arith.constant 0 : index
      %swap3A_671 = arith.constant 0 : index
      %swap3A_672 = vector.load %arg9[%swap3A_670, %swap3A_671] : memref<1x1xf32, #tpu.memory_space<vmem>>, vector<1x1xf32>
      tpu.vector_store %arg9[%swap3A_670, %swap3A_671], %broadcast_in_dim3A_669 {strides = array<i32>} : memref<1x1xf32, #tpu.memory_space<vmem>>, vector<1x1xf32>,
    } else {
    }
    %get3A_662 = arith.constant 0 : index
    %get3A_663 = arith.constant 0 : index
    %get3A_664 = vector.load %arg9[%get3A_662, %get3A_663] : memref<1x1xf32, #tpu.memory_space<vmem>>, vector<1x1xf32>
    %reshape3A = vector.broadcast %add3A_659 : f32 to vector<1x1xf32>
    %add3A_665 = arith.addf %get3A_664, %reshape3A : vector<1x1xf32>
    %swap3A = arith.constant 0 : index
    %swap3A_666 = arith.constant 0 : index
    %swap3A_667 = vector.load %arg9[%swap3A, %swap3A_666] : memref<1x1xf32, #tpu.memory_space<vmem>>, vector<1x1xf32>
    tpu.vector_store %arg9[%swap3A, %swap3A_666], %add3A_665 {strides = array<i32>} : memref<1x1xf32, #tpu.memory_space<vmem>>, vector<1x1xf32>,
    return
  }
  func.func @transform_0(%arg0: i32) -> (i32, i32) {
    %c0_i32 = arith.constant 0 : i32
    %c0_i32_0 = arith.constant 0 : i32
    return %arg0, %c0_i32 : i32, i32
  }
  func.func @transform_1(%arg0: i32) -> (i32, i32) {
    %c0_i32 = arith.constant 0 : i32
    %c0_i32_0 = arith.constant 0 : i32
    return %c0_i32, %arg0 : i32, i32
  }
  func.func @transform_2(%arg0: i32) -> (i32, i32) {
    %c0_i32 = arith.constant 0 : i32
    %c0_i32_0 = arith.constant 0 : i32
    %c0_i32_1 = arith.constant 0 : i32
    return %c0_i32, %c0_i32_0 : i32, i32
  }
  func.func @transform_3(%arg0: i32) -> (i32, i32) {
    %c0_i32 = arith.constant 0 : i32
    %c0_i32_0 = arith.constant 0 : i32
    %c0_i32_1 = arith.constant 0 : i32
    return %c0_i32, %c0_i32_0 : i32, i32
  }
  func.func @transform_4(%arg0: i32) -> (i32, i32) {
    %c0_i32 = arith.constant 0 : i32
    %c0_i32_0 = arith.constant 0 : i32
    %c0_i32_1 = arith.constant 0 : i32
    return %c0_i32, %c0_i32_0 : i32, i32
  }
  func.func @transform_5(%arg0: i32) -> (i32, i32) {
    %c0_i32 = arith.constant 0 : i32
    %c0_i32_0 = arith.constant 0 : i32
    %c0_i32_1 = arith.constant 0 : i32
    return %c0_i32, %c0_i32_0 : i32, i32
  }
  func.func @transform_6(%arg0: i32) -> (i32, i32) {
    %c0_i32 = arith.constant 0 : i32
    %c0_i32_0 = arith.constant 0 : i32
    %c0_i32_1 = arith.constant 0 : i32
    return %c0_i32, %c0_i32_0 : i32, i32
  }
  func.func @transform_7(%arg0: i32) -> (i32, i32) {
    %c0_i32 = arith.constant 0 : i32
    %c0_i32_0 = arith.constant 0 : i32
    %c0_i32_1 = arith.constant 0 : i32
    return %c0_i32, %c0_i32_0 : i32, i32
  }
  func.func @transform_8(%arg0: i32) -> (i32, i32) {
    %c0_i32 = arith.constant 0 : i32
    %c0_i32_0 = arith.constant 0 : i32
    %c0_i32_1 = arith.constant 0 : i32
    return %c0_i32, %c0_i32_0 : i32, i32
  }
}

</mosaic_0001>

<sc_bundles>
// kernel: kernel.10.cloned.1.call-start
scs
__scs_entry_jumppad:
0x0: {  	(pc) =	sbr.rel $0x88, $3  }
0x1: {  	(tag) =	ssettag $0x0;
	lr =	simm.s32 $0x1  }
0x2: {  	[smem:$0x3F8D] =	sst lr;
	_ =	strace $0xD0000000  }
0x3: {  	_ = 	snop  }
0x4: {  	_ = 	snop  }
0x5: {  	_ = 	snop  }
0x6: {  	_ = 	snop  }
0x7: {  	_ = 	snop  }
__scs_overlays_trampoline_lowered:
0x8: {  	[smem:$0x3F9C] =	sst s0  }
0x9: {  	[smem:$0x3F9D] =	sst s1  }
0xa: {  	[smem:$0x3F9E] =	sst s2  }
0xb: {  	[smem:$0x3F9F] =	sst s3  }
0xc: {  	[smem:$0x3FA0] =	sst s4  }
0xd: {  	[smem:$0x3FA1] =	sst s5  }
0xe: {  	[smem:$0x3FA2] =	sst s6  }
0xf: {  	[smem:$0x3FA3] =	sst s7  }
0x10: {  	[smem:$0x3FA4] =	sst s8  }
0x11: {  	[smem:$0x3FA5] =	sst s9;
	s0 =	simm.s32 @!p0 $0x0  }
0x12: {  	s1 =	sld [smem:$0x3F8B];
	s0 =	simm.s32 @p0 $0x1  }
0x13: {  	[smem:$0x3FA6] =	sst s0;
	s0 =	simm.s32 @!p1 $0x0  }
0x14: {  	s2 =	sld [smem:$0x3F8A];
	s0 =	simm.s32 @p1 $0x1  }
0x15: {  	[smem:$0x3FA7] =	sst s0;
	s0 =	simm.s32 @!p2 $0x0  }
0x16: {  	s3 =	sld [smem:$0x3FDB];
	s0 =	simm.s32 @p2 $0x1  }
0x17: {  	s4 =	simm.s32 $0x1BF5;
	[smem:$0x3FA9] =	sst s0  }
0x18: {  	s0 =	sld [smem:$0x3F8C];
	_ =	swait.ge [sflag:s4], $0x0  }
0x19: {  	s7 =	sld [smem:$0x3F8D]  }
0x1a: {  	s8 =	sadd.s32 $0xFFFFE003, lr  }
0x1b: {  	s9 =	sadd.s32 $0xFFFFFEF7, lr;
	s5 =	simm.s32 $0xFFFFFFFF;
	p2 =	slt.u32 s8, $0xFFFFF086  }
0x1c: {  	p1 =	slt.u32 s9, $0xF7A;
	s5 =	simm.s32 @!p2 $0x0  }
0x1d: {  	s5 =	simm.s32 @p1 $0x1;
	p0 =	seq.s32 s7, s2  }
0x1e: {  	s7 =	smul.u32 @!p0 $0xF7A, s2;
	p2 =	seq.s32 @!p0 s5, $0x0  }
0x1f: {  	s9 =	smul.u32 $0xF7A, s1;
	s8 =	simm.s32 @!p0 $0x1BF5;
	p2 =	por !p2, p0  }
0x20: {  	[sflag:s8] =	ssyncset.s32 @!p0 $0xFFFFF086;
	s6 =	sadd.s32 @!p0 s3, s7;
	s7 =	simm.s32 @!p0 $0x108  }
0x21: {  	s3 =	sadd.s32 s3, s9;
	s6 =	sadd.s32 @!p0 $0x88, s6;
	s7 =	simm.s32 @p2 $0x1082  }
0x22: {  	[simem:s7], [sflag:s8] =	dma.local @!p0 [hbm:s6], $0xF7A  }
0x23: {  	s9 =	sor.u32 $0xD0000000, s2;
	s6 =	simm.s32 $0x108;
	_ =	swait.ge @!p0 [sflag:s8], $0x0  }
0x24: {  	s3 =	sadd.s32 $0x88, s3;
	s6 =	simm.s32 @!p1 $0x1082;
	[sflag:s4] =	ssyncset.s32 $0xFFFFF086  }
0x25: {  	[simem:s6], [sflag:s4] =	dma.local [hbm:s3], $0xF7A  }
0x26: {  	[smem:$0x3F8D] =	sst s1;
	(tag) =	ssettag s2;
	_ =	strace s9  }
0x27: {  	s1 =	sld [smem:$0x3F9D]  }
0x28: {  	s2 =	sld [smem:$0x3F9E]  }
0x29: {  	s4 =	sld [smem:$0x3FA0]  }
0x2a: {  	p0 =	seq.s32 s5, $0x0;
	s5 =	sld [smem:$0x3FA1]  }
0x2b: {  	s6 =	sld [smem:$0x3FA2]  }
0x2c: {  	s7 =	sld [smem:$0x3FA3]  }
0x2d: {  	s3 =	simm.s32 $0x108;
	s8 =	sld [smem:$0x3FA4]  }
0x2e: {  	s3 =	simm.s32 @!p0 $0x1082;
	s9 =	sld [smem:$0x3FA5]  }
0x2f: {  	lr =	sadd.s32 s0, s3;
	s0 =	sld [smem:$0x3F9C]  }
0x30: {  	s3 =	sld [smem:$0x3F9F]  }
0x31: {  	[smem:$0x3FA8] =	sst s10  }
0x32: {  	s10 =	sld [smem:$0x3FA6];
	_ =	sdelay $0x3  }
0x33: {  	p0 =	seq.s32 s10, $0x1;
	s10 =	sld [smem:$0x3FA8];
	_ =	sdelay $0x3  }
0x34: {  	[smem:$0x3FA8] =	sst s10  }
0x35: {  	s10 =	sld [smem:$0x3FA7];
	_ =	sdelay $0x3  }
0x36: {  	p1 =	seq.s32 s10, $0x1;
	s10 =	sld [smem:$0x3FA8];
	_ =	sdelay $0x3  }
0x37: {  	[smem:$0x3FA8] =	sst s10  }
0x38: {  	s10 =	sld [smem:$0x3FA9]  }
0x39: {  	_ = 	snop;
	(pc) =	sbr.ind lr, $3  }
0x3a: {  	_ = 	snop  }
0x3b: {  	_ = 	snop  }
0x3c: {  	p2 =	seq.s32 s10, $0x1;
	s10 =	sld [smem:$0x3FA8]  }
0x3d: {  	_ =	shalt  }
0x3e: {  	_ =	shalt  }
0x3f: {  	_ =	shalt  }
0x40: {  	_ =	shalt  }
0x41: {  	_ =	shalt  }
0x42: {  	_ =	shalt  }
0x43: {  	_ =	shalt  }
0x44: {  	_ =	shalt  }
0x45: {  	_ =	shalt  }
0x46: {  	_ =	shalt  }
0x47: {  	_ =	shalt  }
0x48: {  	_ =	shalt  }
0x49: {  	_ =	shalt  }
0x4a: {  	_ =	shalt  }
0x4b: {  	_ =	shalt  }
0x4c: {  	_ =	shalt  }
0x4d: {  	_ =	shalt  }
0x4e: {  	_ =	shalt  }
0x4f: {  	_ =	shalt  }
0x50: {  	_ =	shalt  }
0x51: {  	_ =	shalt  }
0x52: {  	_ =	shalt  }
0x53: {  	_ =	shalt  }
0x54: {  	_ =	shalt  }
0x55: {  	_ =	shalt  }
0x56: {  	_ =	shalt  }
0x57: {  	_ =	shalt  }
0x58: {  	_ =	shalt  }
0x59: {  	_ =	shalt  }
0x5a: {  	_ =	shalt  }
0x5b: {  	_ =	shalt  }
0x5c: {  	_ =	shalt  }
0x5d: {  	_ =	shalt  }
0x5e: {  	_ =	shalt  }
0x5f: {  	_ =	shalt  }
0x60: {  	_ =	shalt  }
0x61: {  	_ =	shalt  }
0x62: {  	_ =	shalt  }
0x63: {  	_ =	shalt  }
0x64: {  	_ =	shalt  }
0x65: {  	_ =	shalt  }
0x66: {  	_ =	shalt  }
0x67: {  	_ =	shalt  }
0x68: {  	_ =	shalt  }
0x69: {  	_ =	shalt  }
0x6a: {  	_ =	shalt  }
0x6b: {  	_ =	shalt  }
0x6c: {  	_ =	shalt  }
0x6d: {  	_ =	shalt  }
0x6e: {  	_ =	shalt  }
0x6f: {  	_ =	shalt  }
0x70: {  	_ =	shalt  }
0x71: {  	_ =	shalt  }
0x72: {  	_ =	shalt  }
0x73: {  	_ =	shalt  }
0x74: {  	_ =	shalt  }
0x75: {  	_ =	shalt  }
0x76: {  	_ =	shalt  }
0x77: {  	_ =	shalt  }
0x78: {  	_ =	shalt  }
0x79: {  	_ =	shalt  }
0x7a: {  	_ =	shalt  }
0x7b: {  	_ =	shalt  }
0x7c: {  	_ =	shalt  }
0x7d: {  	_ =	shalt  }
0x7e: {  	_ =	shalt  }
0x7f: {  	_ =	shalt  }
0x80: {  	_ =	shalt  }
0x81: {  	_ =	shalt  }
0x82: {  	_ =	shalt  }
0x83: {  	_ =	shalt  }
0x84: {  	_ =	shalt  }
0x85: {  	_ =	shalt  }
0x86: {  	_ =	shalt  }
0x87: {  	_ =	shalt  }
.Lfunc_end0:
.L_simem_size_0:
called_computation_lowered:
.L_overlay_start_0:
0x88: {  	s2 =	sld [smem:$0x3FD9]  }
0x89: {  	s3 =	sld [smem:$0x3FFE];
	_ =	sdelay $0x1  }
0x8a: {  	s1 =	srdreg.scid  }
0x8b: {  	s0 =	sand.u32 $0x1, s1  }
0x8c: {  	s17 =	sshll.u32 s0, $0xA;
	s2 =	sadd.s32 s3, s2  }
0x8d: {  	s2 =	sadd.s32 s2, s17  }
0x8e: {  	[smem:$0x3FB4] =	sst s2  }
0x8f: {  	_ = 	snop  }
0x90: {  	s2 =	sld [smem:$0x3FBC];
	(tm) =	ssettm $0x1  }
0x91: {  	s18 =	sld [smem:$0x3FFB];
	_ =	sdelay $0x3  }
0x92: {  	_ =	strace s18  }
0x93: {  	s3 =	sld [smem:$0x3FFC];
	_ =	sdelay $0x3  }
0x94: {  	_ =	strace s3  }
0x95: {  	s3 =	sld [smem:$0x3FFD];
	_ =	sdelay $0x3  }
0x96: {  	_ =	strace s3  }
0x97: {  	_ =	strace $0x8FFFFFFF  }
0x98: {  	s19 =	sld [smem:$0x3FDB];
	_ =	sdelay $0x1  }
0x99: {  	s4 =	simm.s32 $_scs_section_size  }
0x9a: {  	s5 =	simm.s32 $_size__tile_overlayer_lowered;
	s6 =	simm.s32 $_tile_overlayer_lowered  }
0x9b: {  	s22 =	simm.s32 $0x1BFF;
	s21 =	sshll.u32 s6, $0x1;
	s3 =	sadd.s32 s4, s19  }
0x9c: {  	s7 =	simm.s32 $0x0;
	s20 =	sshll.u32 s5, $0x1;
	s5 =	sadd.s32 s21, s3  }
0x9d: {  	[timem:s7], [sflag:s22] =	dma.local [hbm:s5], s20  }
0x9e: {  	_ =	swait.ge [sflag:s22], s20  }
0x9f: {  	s4 =	ssub.s32 $0x0, s20;
	[sflag:s22] =	ssyncset.done $0x0  }
0xa0: {  	[sflag:s22] =	ssyncadd.s32 s4;
	_ =	sdelay $0x1  }
0xa1: {  	s23 =	simm.s32 $0x1B8B  }
0xa2: {  	_ =	swait.ge [sflag:s23], $0x1  }
0xa3: {  	[sflag:s23] =	ssyncset.done $0x0  }
0xa4: {  	s25 =	simm.s32 $0x1B8E;
	s24 =	sld [smem:$0x3FFE];
	[sflag:s23] =	ssyncadd.s32 $0xFFFFFFFF  }
0xa5: {  	s26 =	simm.s32 $execute0_lowered;
	[smem:$0x3FD2] =	sst s25  }
0xa6: {  	s5 =	sshll.u32 s26, $0x1;
	_ =	strace $0x80000046;
	[dreg:$0x1] =	wrdreg $0xFFFFFFFF  }
0xa7: {  	s28 =	simm.s32 $_size_execute0_lowered;
	s3 =	sadd.s32 s3, s5;
	[dreg:$0x0] =	wrdreg $0x0  }
0xa8: {  	s5 =	sshll.u32 s28, $0x1;
	[dreg:$0x2] =	wrdreg s3  }
0xa9: {  	[dreg:$0x3] =	wrdreg s5  }
0xaa: {  	[dreg:$0x4] =	wrdreg $0xC0  }
0xab: {  	_ =	task [dreg:s7], $0x5FFFF  }
0xac: {  	[dreg:$0x1] =	wrdreg $0xFFFFFFFF  }
0xad: {  	[dreg:$0x0] =	wrdreg $0x60  }
0xae: {  	[dreg:$0x2] =	wrdreg s2  }
0xaf: {  	[dreg:$0x3] =	wrdreg s24  }
0xb0: {  	[dreg:$0x4] =	wrdreg $0x9  }
0xb1: {  	_ =	task.clear_ibuf [dreg:s7], $0x5FFFF;
	_ =	strace $0x90000046  }
0xb2: {  	s29 =	simm.s32 $0x9;
	_ =	strace $0x80000048  }
0xb3: {  	_ =	swait.ge [sflag:s29], $0x1  }
0xb4: {  	[sflag:s29] =	ssyncadd.s32 $0xFFFFFFFF  }
0xb5: {  	_ =	strace $0x90000048  }
0xb6: {  	_ =	sfence  }
0xb7: {  	s30 =	sld [smem:$0x0];
	_ =	sdelay $0x2  }
0xb8: {  	s31 =	sshll.u32 s1, $0xD;
	s1 =	sshrl.u32 s1, $0x2  }
0xb9: {  	s3 =	sand.u32 $0x4000, s31;
	s1 =	sadd.s32 s1, s30  }
0xba: {  	s0 =	sor.u32 s3, s0;
	s1 =	sshll.u32 s1, $0x11  }
0xbb: {  	s0 =	sor.u32 s1, s0  }
0xbc: {  	s0 =	sadd.s32 $0x8F2B, s0  }
0xbd: {  	[sflag:s0] =	ssyncadd.remote.s32 $0x1  }
0xbe: {  	_ =	sfence.sel $0xFFFF  }
0xbf: {  	[dreg:$0x0] =	wrdreg $0xFFFFFFFF;
	(pc) =	sbr.abs _section_cstart, $3  }
0xc0: {  	[dreg:$0x1] =	wrdreg $0xFFFFFFFF  }
0xc1: {  	_ =	task.clear_ibuf [dreg:s7], $0x2FFFF;
	_ =	strace $0x9FFFFFFF  }
0xc2: {  	(tm) =	ssettm $0x7FFFFFFF  }
0xc3: {  	_ =	shalt  }
tec
execute0_lowered:
.L_overlay_start_1:
0x0: {  	(tag) =	ssettag $0x1  }
0x1: {  	s2 =	rddreg [dreg:$0x0]  }
0x2: {  	s4 =	rddreg [dreg:$0x1];
	s3 =	srdreg.scid  }
0x3: {  	s0 =	rddreg [dreg:$0x2];
	s1 =	stileid.u32  }
0x4: {  	s9 =	simm.s32 $0x880;
	s10 =	simm.s32 $0x1080;
	s11 =	simm.s32 $0x1880  }
0x5: {  	s12 =	simm.s32 $0x2080;
	s13 =	simm.s32 $0x2880;
	s14 =	simm.s32 $0x3080  }
0x6: {  	s15 =	simm.s32 $0x3880;
	s16 =	simm.s32 $0x1;
	s5 =	sand.u32 $0x1, s3  }
0x7: {  	s3 =	simm.s32 $0x0;
	s6 =	sshll.u32 s1, $0x7;
	s7 =	sshll.u32 s5, $0x6  }
0x8: {  	[smem:$0x7FF] =	sst s3;
	s5 =	ssub.s32 $0x2, s5;
	s6 =	sor.u32 s7, s6  }
0x9: {  	_ =	strace $0x80000047;
	s7 =	sshrl.u32 s6, $0x3;
	s6 =	sshll.u32 s6, $0x5  }
0xa: {  	v2 =	vlaneseq.u32;
	s8 =	sshrl.u32 s5, $0x1;
	s7 =	sadd.s32 s7, s4;
	s6 =	sadd.s32 s6, s4  }
0xb: {  	vm0 =	vmmov $0xffff;
	v1 =	vshrl.u32 v2, $0x3;
	s8 =	ssub.s32 s5, s8;
	s4 =	sadd.s32 $0x3A00, s7;
	s5 =	sadd.s32 $0x3C00, s6  }
0xc: {  	v0 =	vand.u32 $0x7, v2;
	v2 =	vor.u32 $0x8, v2;
	v1 =	vmul.u32 $0x8, v1;
	s6 =	smax.u32 s8, $0x1;
	s7 =	simm.s32 $0x2;
	s8 =	simm.s32 $0x80  }
.LBB2_1:
0xd: {  	[tilespmem:s3], [sflag:$0x2] =	stream.linear.gather [hbm4b:s4+s3], $0x40, $0x38;
	[tilespmem:$0x4080] =	vst v63  }
0xe: {  	_ =	swait.ge [sflag:s7], $0x40  }
0xf: {  	[sflag:s7] =	ssyncset.done $0x0  }
0x10: {  	[sflag:s7] =	ssyncadd.s32 $0xFFFFFFC0  }
0x11: {  	v3 =	vld [tilespmem:$0x0];
	_ =	sdelay $0x4  }
0x12: {  	v4 =	vshll.u32 v3, $0x1  }
0x13: {  	v3 =	vand.u32 $0x7, v3;
	v4 =	vand.u32 $0xFFFFFFF0, v4  }
0x14: {  	v3 =	vor.u32 v3, v4  }
0x15: {  	v4 =	vperm.xlane v3, v0;
	_ =	sdelay $0x1  }
0x16: {  	v3 =	vperm.xlane v3, v2;
	v4 =	vadd.s32 v1, v4;
	_ =	sdelay $0x1  }
0x17: {  	v3 =	vadd.s32 v1, v3;
	_ =	sdelay $0x2  }
0x18: {  	[tilespmem:s8], [sflag:$0x1] =	stream.indirect_vreg.gather [hbm4b:s2+s3], $0x80, v4, vm0, $0xb8;
	[tilespmem:$0x4080] =	vst v63  }
0x19: {  	_ = 	snop  }
0x1a: {  	[tilespmem:s9], [sflag:$0x1] =	stream.indirect_vreg.gather [hbm4b:s2+s3], $0x80, v3, vm0, $0xb8;
	[tilespmem:$0x4080] =	vst v63  }
0x1b: {  	v3 =	vld [tilespmem:$0x10];
	_ =	sdelay $0x4  }
0x1c: {  	v61 =	vshll.u32 v3, $0x1  }
0x1d: {  	v3 =	vand.u32 $0x7, v3;
	v4 =	vand.u32 $0xFFFFFFF0, v61  }
0x1e: {  	v3 =	vor.u32 v3, v4  }
0x1f: {  	v4 =	vperm.xlane v3, v0;
	_ =	sdelay $0x1  }
0x20: {  	v3 =	vperm.xlane v3, v2;
	v4 =	vadd.s32 v1, v4;
	_ =	sdelay $0x1  }
0x21: {  	v3 =	vadd.s32 v1, v3;
	_ =	sdelay $0x2  }
0x22: {  	[tilespmem:s10], [sflag:$0x1] =	stream.indirect_vreg.gather [hbm4b:s2+s3], $0x80, v4, vm0, $0xb8;
	[tilespmem:$0x4080] =	vst v63  }
0x23: {  	_ = 	snop  }
0x24: {  	[tilespmem:s11], [sflag:$0x1] =	stream.indirect_vreg.gather [hbm4b:s2+s3], $0x80, v3, vm0, $0xb8;
	[tilespmem:$0x4080] =	vst v63  }
0x25: {  	v3 =	vld [tilespmem:$0x20];
	_ =	sdelay $0x4  }
0x26: {  	v62 =	vshll.u32 v3, $0x1  }
0x27: {  	v3 =	vand.u32 $0x7, v3;
	v4 =	vand.u32 $0xFFFFFFF0, v62  }
0x28: {  	v3 =	vor.u32 v3, v4  }
0x29: {  	v4 =	vperm.xlane v3, v0;
	_ =	sdelay $0x1  }
0x2a: {  	v3 =	vperm.xlane v3, v2;
	v4 =	vadd.s32 v1, v4;
	_ =	sdelay $0x1  }
0x2b: {  	v3 =	vadd.s32 v1, v3;
	_ =	sdelay $0x2  }
0x2c: {  	[tilespmem:s12], [sflag:$0x1] =	stream.indirect_vreg.gather [hbm4b:s2+s3], $0x80, v4, vm0, $0xb8;
	[tilespmem:$0x4080] =	vst v63  }
0x2d: {  	_ = 	snop  }
0x2e: {  	[tilespmem:s13], [sflag:$0x1] =	stream.indirect_vreg.gather [hbm4b:s2+s3], $0x80, v3, vm0, $0xb8;
	[tilespmem:$0x4080] =	vst v63  }
0x2f: {  	v3 =	vld [tilespmem:$0x30];
	_ =	sdelay $0x4  }
0x30: {  	v63 =	vshll.u32 v3, $0x1  }
0x31: {  	v3 =	vand.u32 $0x7, v3;
	v4 =	vand.u32 $0xFFFFFFF0, v63  }
0x32: {  	v3 =	vor.u32 v3, v4  }
0x33: {  	v4 =	vperm.xlane v3, v0;
	_ =	sdelay $0x1  }
0x34: {  	v3 =	vperm.xlane v3, v2;
	v4 =	vadd.s32 v1, v4;
	_ =	sdelay $0x1  }
0x35: {  	v3 =	vadd.s32 v1, v3;
	_ =	sdelay $0x2  }
0x36: {  	[tilespmem:s14], [sflag:$0x1] =	stream.indirect_vreg.gather [hbm4b:s2+s3], $0x80, v4, vm0, $0xb8;
	[tilespmem:$0x4080] =	vst v63  }
0x37: {  	_ = 	snop  }
0x38: {  	[tilespmem:s15], [sflag:$0x1] =	stream.indirect_vreg.gather [hbm4b:s2+s3], $0x80, v3, vm0, $0xb8;
	[tilespmem:$0x4080] =	vst v63  }
0x39: {  	_ =	swait.ge [sflag:s16], $0x4000  }
0x3a: {  	p0 =	sne.s32 s6, $0x1;
	[sflag:s16] =	ssyncset.done $0x0  }
.Ltmp0:
0x3b: {  	[sflag:s16] =	ssyncadd.s32 $0xFFFFC000;
	(pc) =	sbr.rel @p0 .LBB2_1-.Ltmp0, $4  }
0x3c: {  	[hbm4b:s5+s3] =	stream.linear.scatter [tilespmem:s8], [sflag:$0x2], $0x4000, $0x38;
	[tilespmem:$0x4080] =	vst v63  }
0x3d: {  	_ =	swait.ge [sflag:s7], $0x4000  }
0x3e: {  	[sflag:s7] =	ssyncset.done $0x0  }
0x3f: {  	s6 =	sadd.s32 $0xFFFFFFFF, s6;
	[sflag:s7] =	ssyncadd.s32 $0xFFFFC000  }
0x40: {  	_ =	sfence.sel $0x180000  }
0x41: {  	[bflag:$0x0] =	sbarrier.arrive $0xFFFF  }
0x42: {  	p0 =	sne.s32 s1, $0x0;
	_ =	strace $0x90000047  }
0x43: {  	s0 =	sadd.s32 @!p0 $0x100000, s0;
	[bflag:$0x2] =	sbarrier.arrive $0xFFFF  }
0x44: {  	[sflag:s0] =	ssyncadd.tile.s32 @!p0 $0x1;
	_ =	shalt  }
.Lfunc_end2:
_tile_overlayer_lowered:
.L_overlay_start_2:
0x45: {  	(tag) =	ssettag $0x2  }
0x46: {  	s0 =	rddreg [dreg:$0x0];
	s2 =	stileid.u32  }
0x47: {  	s1 =	rddreg [dreg:$0x1];
	p0 =	sne.s32 s2, $0x0  }
0x48: {  	s3 =	rddreg [dreg:$0x2];
	[bflag:$0x3] =	sbarrier.arrive $0xFFFF;
	s2 =	simm.s32 @!p0 $0x1C02  }
0x49: {  	[timem:s3], [sflag:s2] =	dma.local @!p0 [hbm:s0], s1  }
0x4a: {  	s0 =	simm.s32 @!p0 $0x2  }
0x4b: {  	_ =	swait.ge @!p0 [sflag:s0], s1  }
0x4c: {  	s1 =	ssub.s32 @!p0 $0x0, s1;
	[sflag:s0] =	ssyncset.done @!p0 $0x0  }
0x4d: {  	[sflag:s0] =	ssyncadd.s32 @!p0 s1  }
0x4e: {  	[bflag:$0x3] =	sbarrier.arrive $0xFFFF  }
0x4f: {  	_ =	shalt  }

</sc_bundles>
